<compile_context>
chip_gen: v7x
topology: tpu7x:2x2x1
jax: 0.10.2.dev20260603
libtpu: 0.0.44.dev20260713+nightly
codegen_flags: <defaults>
</compile_context>

<pallas_src>
import functools
import jax
import jax.numpy as jnp
from jax import lax
from jax.experimental import pallas as pl
from jax.experimental.pallas import tpu as pltpu
from jax.experimental.pallas import tpu_sc as plsc

_N_ATOMS = 100000
_PL_MAIN = 393
_PL_T0 = 355
_CH_MAIN = 16 * _PL_MAIN
_CH_T0 = 16 * _PL_T0
_UNROLL = 8
_NB_MAIN = (_PL_MAIN - 1) // _UNROLL
_NB_T0 = _PL_T0 // _UNROLL
_TAIL = 3
_BUF = _CH_MAIN + 16
_N_SEG = 512

_mesh = plsc.VectorSubcoreMesh(core_axis_name="c", subcore_axis_name="s",
                               num_cores=1)


@functools.partial(
    pl.kernel,
    mesh=_mesh,
    out_type=jax.ShapeDtypeStruct((_N_SEG,), jnp.float32),
    scratch_types=[
        pltpu.VMEM((_BUF,), jnp.int32),
        pltpu.VMEM((_BUF,), jnp.int32),
        pltpu.VMEM((128,), jnp.float32),
        pltpu.VMEM((_N_SEG,), jnp.float32),
        pltpu.VMEM((128,), jnp.int32),
        pltpu.VMEM((128,), jnp.int32),
        pltpu.VMEM((128,), jnp.int32),
        pltpu.VMEM((128,), jnp.int32),
        pltpu.VMEM_SHARED((_N_SEG,), jnp.float32),
        pltpu.SemaphoreType.DMA,
        pltpu.SemaphoreType.DMA,
    ],
    compiler_params=pltpu.CompilerParams(needs_layout_passes=False),
)
def _shift_kernel(x_hbm, an_hbm, b_hbm, shift_hbm, out_hbm,
                  an_v, b_v, shift_v, seg_v, idx0, idx1, idx2, idx3,
                  shared, sem_a, sem_b):
    wid = lax.axis_index("s")
    is_t0 = wid == 0

    @pl.when(is_t0)
    def _():
        cp_a = pltpu.async_copy(an_hbm.at[pl.ds(0, _CH_T0)],
                                an_v.at[pl.ds(0, _CH_T0)], sem_a)
        cp_b = pltpu.async_copy(b_hbm.at[pl.ds(0, _CH_T0)],
                                b_v.at[pl.ds(0, _CH_T0)], sem_b)
        pltpu.sync_copy(x_hbm, shared)
        cp_a.wait()
        cp_b.wait()

    @pl.when(jnp.logical_not(is_t0))
    def _():
        base = _CH_T0 + (wid - 1) * _CH_MAIN
        cp_a = pltpu.async_copy(an_hbm.at[pl.ds(base, _CH_MAIN)],
                                an_v.at[pl.ds(0, _CH_MAIN)], sem_a)
        cp_b = pltpu.async_copy(b_hbm.at[pl.ds(base, _CH_MAIN)],
                                b_v.at[pl.ds(0, _CH_MAIN)], sem_b)
        cp_a.wait()
        cp_b.wait()

    pltpu.sync_copy(shift_hbm, shift_v)

    zeros = jnp.zeros((16,), jnp.float32)
    for i in range(_N_SEG // 16):
        seg_v[pl.ds(i * 16, 16)] = zeros
    lane = lax.iota(jnp.int32, 16)
    for j, idx_ref in enumerate((idx0, idx1, idx2, idx3)):
        for v in range(8):
            idx_ref[pl.ds(v * 16, 16)] = lane + (j * 128 + v * 16)

    plsc.subcore_barrier()

    per_lane = jnp.where(is_t0, _PL_T0, _PL_MAIN).astype(jnp.int32)
    n_blocks = jnp.where(is_t0, _NB_T0, _NB_MAIN).astype(jnp.int32)
    lane_base = lane * per_lane

    def step(i):
        idx16 = lane_base + i
        an16 = plsc.load_gather(an_v, [idx16])
        b16 = plsc.load_gather(b_v, [idx16])
        vals = plsc.load_gather(shift_v, [an16])
        plsc.addupdate_scatter(seg_v, [b16], vals)

    def body(blk, carry):
        off = blk * _UNROLL
        for u in range(_UNROLL):
            step(off + u)
        return carry

    lax.fori_loop(0, n_blocks, body, 0)

    tail_base = n_blocks * _UNROLL
    for t in range(_TAIL):
        i = tail_base + t
        mask = jnp.full((16,), i < per_lane)
        idx16 = lane_base + i
        an16 = plsc.load_gather(an_v, [idx16]) & 127
        b16 = plsc.load_gather(b_v, [idx16]) & (_N_SEG - 1)
        vals = plsc.load_gather(shift_v, [an16])
        plsc.addupdate_scatter(seg_v, [b16], vals, mask=mask)

    for i in range(_N_SEG // 16):
        sl = pl.ds(i * 16, 16)
        seg_v[sl] = zeros - seg_v[sl]

    chunk = per_lane * 16
    b_first = jnp.min(b_v[pl.ds(0, 16)])
    b_last = jnp.max(plsc.load_gather(b_v, [chunk - 16 + lane]))

    for j, idx_ref in enumerate((idx0, idx1, idx2, idx3)):
        @pl.when(jnp.logical_and(b_last >= j * 128, b_first < (j + 1) * 128))
        def _(idx_ref=idx_ref, j=j):
            pltpu.sync_copy(seg_v.at[pl.ds(j * 128, 128)],
                            shared.at[idx_ref], add=True)

    plsc.subcore_barrier()

    @pl.when(is_t0)
    def _():
        pltpu.sync_copy(shared, out_hbm)


def kernel(x, atomic_numbers, batch, shift):
    shift_p = jnp.zeros((128,), jnp.float32).at[:shift.shape[0]].set(shift[:, 0])
    x_p = jnp.zeros((_N_SEG,), jnp.float32).at[:x.shape[0]].set(x)
    out = _shift_kernel(x_p, atomic_numbers, batch, shift_p)
    return out[:x.shape[0]]

# --- scband reference (transcript-rebuilt; emitter-appended) ---
"""Pipeline reference for scband-per-atom-shift-34857954574512 (READ-ONLY COPY).

The authoritative reference and input builder live on the scoring server;
editing this copy changes nothing except your own understanding.
"""

import jax, jax.numpy as jnp
import numpy as np

N_ATOMS = 100000
N_STRUCT = 500
MAX_Z = 119


def setup_inputs(seed: int = 0) -> dict:
    key = jax.random.key(seed)
    k1, k2, k3, k4 = jax.random.split(key, 4)
    # global per-structure property (e.g. total energy of each structure)
    x = jax.random.normal(k1, (N_STRUCT,), dtype=jnp.float32)
    # atomic number of every atom in the batch of graphs
    atomic_numbers = jax.random.randint(k2, (N_ATOMS,), 0, MAX_Z, dtype=jnp.int32)
    # structure id (batch pointer) for every atom; sorted as in PyG-style batching
    batch = jnp.sort(jax.random.randint(k3, (N_ATOMS,), 0, N_STRUCT, dtype=jnp.int32))
    # learned per-species shift table: PerSpeciesParameter.of_dim(dim=1) -> [MAX_Z, 1]
    shift = jax.random.normal(k4, (MAX_Z, 1), dtype=jnp.float32) * 0.1
    return {"x": x, "atomic_numbers": atomic_numbers, "batch": batch, "shift": shift}


def reference(x, atomic_numbers, batch, shift):
    # shifts = self.shift[graph['atomic_numbers']].squeeze()
    shifts = jnp.take(shift, atomic_numbers, axis=0).squeeze(-1)  # [N_ATOMS]
    # x is a global (per-structure) property since x.shape[0] != n_atoms,
    # so: shifts = sum_per_structure(shifts, graph)
    per_structure_shift = jax.ops.segment_sum(shifts, batch, num_segments=N_STRUCT)
    # left_aligned_sub(x, shifts)
    return x - per_structure_shift

if __name__ == "__main__":
    import jax
    _d = setup_inputs()
    print(jax.jit(kernel)(*tuple(_d.values())))

</pallas_src>

<mosaic_0001>
#map = affine_map<(d0, d1) -> (0)>
module attributes {stable_mosaic.version = 14 : i64} {
  func.func @_shift_kernel(%arg0: i32, %arg1: i32, %arg2: memref<512xf32, #tpu.memory_space<hbm>>, %arg3: memref<100000xi32, #tpu.memory_space<hbm>>, %arg4: memref<100000xi32, #tpu.memory_space<hbm>>, %arg5: memref<128xf32, #tpu.memory_space<hbm>>, %arg6: memref<512xf32, #tpu.memory_space<hbm>>, %arg7: memref<6304xi32, #tpu.memory_space<vmem>>, %arg8: memref<6304xi32, #tpu.memory_space<vmem>>, %arg9: memref<128xf32, #tpu.memory_space<vmem>>, %arg10: memref<512xf32, #tpu.memory_space<vmem>>, %arg11: memref<128xi32, #tpu.memory_space<vmem>>, %arg12: memref<128xi32, #tpu.memory_space<vmem>>, %arg13: memref<128xi32, #tpu.memory_space<vmem>>, %arg14: memref<128xi32, #tpu.memory_space<vmem>>, %arg15: memref<512xf32, #tpu.memory_space<vmem_shared>>, %arg16: memref<!tpu.dma_semaphore, #tpu.memory_space<semaphore_mem>>, %arg17: memref<!tpu.dma_semaphore, #tpu.memory_space<semaphore_mem>>) attributes {dimension_semantics = [#tpu.dimension_semantics<core_parallel>, #tpu.dimension_semantics<subcore_parallel>], iteration_bounds = array<i64: 1, 16>, scalar_prefetch = 0 : i64, scratch_operands = 11 : i64, tpu.core_type = #tpu.core_type<sc_vector_subcore>, window_params = [{transform_indices = #map}, {transform_indices = #map}, {transform_indices = #map}, {transform_indices = #map}, {transform_indices = #map}]} {
    %eq3A = arith.constant 0 : i32
    %eq3A_0 = arith.cmpi eq, %arg1, %eq3A : i32
    %convert_element_type3A = arith.extui %eq3A_0 : i1 to i32
    %cond3A = arith.constant 0 : i32
    %cond3A_1 = arith.cmpi ne, %convert_element_type3A, %cond3A : i32
    scf.if %cond3A_1 {
      %dma_start3A = arith.constant 0 : i32
      %dma_start3A_503 = tpu.memref_slice %arg7[%dma_start3A] : memref<6304xi32, #tpu.memory_space<vmem>> -> memref<5680xi32, #tpu.memory_space<vmem>>
      %dma_start3A_504 = arith.constant 0 : i32
      %dma_start3A_505 = tpu.memref_slice %arg3[%dma_start3A_504] : memref<100000xi32, #tpu.memory_space<hbm>> -> memref<5680xi32, #tpu.memory_space<hbm>>
      %dma_start3A_506 = arith.constant 0 : i32
      %dma_start3A_507 = tpu.memref_slice %arg7[%dma_start3A_506] : memref<6304xi32, #tpu.memory_space<vmem>> -> memref<5680xi32, #tpu.memory_space<vmem>>
      %dma_start3A_508 = arith.constant 0 : i32
      %dma_start3A_509 = tpu.memref_slice %arg3[%dma_start3A_508] : memref<100000xi32, #tpu.memory_space<hbm>> -> memref<5680xi32, #tpu.memory_space<hbm>>
      tpu.enqueue_dma source(%dma_start3A_509 : memref<5680xi32, #tpu.memory_space<hbm>>) target(%dma_start3A_507 : memref<5680xi32, #tpu.memory_space<vmem>>) target_semaphore(%arg16 : memref<!tpu.dma_semaphore, #tpu.memory_space<semaphore_mem>>)
      %dma_start3A_510 = arith.constant 0 : i32
      %dma_start3A_511 = tpu.memref_slice %arg8[%dma_start3A_510] : memref<6304xi32, #tpu.memory_space<vmem>> -> memref<5680xi32, #tpu.memory_space<vmem>>
      %dma_start3A_512 = arith.constant 0 : i32
      %dma_start3A_513 = tpu.memref_slice %arg4[%dma_start3A_512] : memref<100000xi32, #tpu.memory_space<hbm>> -> memref<5680xi32, #tpu.memory_space<hbm>>
      %dma_start3A_514 = arith.constant 0 : i32
      %dma_start3A_515 = tpu.memref_slice %arg8[%dma_start3A_514] : memref<6304xi32, #tpu.memory_space<vmem>> -> memref<5680xi32, #tpu.memory_space<vmem>>
      %dma_start3A_516 = arith.constant 0 : i32
      %dma_start3A_517 = tpu.memref_slice %arg4[%dma_start3A_516] : memref<100000xi32, #tpu.memory_space<hbm>> -> memref<5680xi32, #tpu.memory_space<hbm>>
      tpu.enqueue_dma source(%dma_start3A_517 : memref<5680xi32, #tpu.memory_space<hbm>>) target(%dma_start3A_515 : memref<5680xi32, #tpu.memory_space<vmem>>) target_semaphore(%arg17 : memref<!tpu.dma_semaphore, #tpu.memory_space<semaphore_mem>>)
      "tpu.region"() ({
        %run_scoped3A = tpu.sem_alloc : memref<!tpu.dma_semaphore, #tpu.memory_space<semaphore_mem>>
        tpu.enqueue_dma source(%arg2 : memref<512xf32, #tpu.memory_space<hbm>>) target(%arg15 : memref<512xf32, #tpu.memory_space<vmem_shared>>) target_semaphore(%run_scoped3A : memref<!tpu.dma_semaphore, #tpu.memory_space<semaphore_mem>>)
        tpu.wait_dma2 semaphore(%run_scoped3A : memref<!tpu.dma_semaphore, #tpu.memory_space<semaphore_mem>>) src(%arg2 : memref<512xf32, #tpu.memory_space<hbm>>) dst(%arg15 : memref<512xf32, #tpu.memory_space<vmem_shared>>)
        tpu.yield
      }) : () -> ()
      %dma_wait3A = arith.constant 0 : i32
      %dma_wait3A_518 = tpu.memref_slice %arg7[%dma_wait3A] : memref<6304xi32, #tpu.memory_space<vmem>> -> memref<5680xi32, #tpu.memory_space<vmem>>
      %dma_wait3A_519 = arith.constant 0 : i32
      %dma_wait3A_520 = tpu.memref_slice %arg3[%dma_wait3A_519] : memref<100000xi32, #tpu.memory_space<hbm>> -> memref<5680xi32, #tpu.memory_space<hbm>>
      %dma_wait3A_521 = arith.constant 0 : i32
      %dma_wait3A_522 = tpu.memref_slice %arg7[%dma_wait3A_521] : memref<6304xi32, #tpu.memory_space<vmem>> -> memref<5680xi32, #tpu.memory_space<vmem>>
      %dma_wait3A_523 = arith.constant 0 : i32
      %dma_wait3A_524 = tpu.memref_slice %arg3[%dma_wait3A_523] : memref<100000xi32, #tpu.memory_space<hbm>> -> memref<5680xi32, #tpu.memory_space<hbm>>
      tpu.wait_dma2 semaphore(%arg16 : memref<!tpu.dma_semaphore, #tpu.memory_space<semaphore_mem>>) src(%dma_wait3A_524 : memref<5680xi32, #tpu.memory_space<hbm>>) dst(%dma_wait3A_522 : memref<5680xi32, #tpu.memory_space<vmem>>)
      %dma_wait3A_525 = arith.constant 0 : i32
      %dma_wait3A_526 = tpu.memref_slice %arg8[%dma_wait3A_525] : memref<6304xi32, #tpu.memory_space<vmem>> -> memref<5680xi32, #tpu.memory_space<vmem>>
      %dma_wait3A_527 = arith.constant 0 : i32
      %dma_wait3A_528 = tpu.memref_slice %arg4[%dma_wait3A_527] : memref<100000xi32, #tpu.memory_space<hbm>> -> memref<5680xi32, #tpu.memory_space<hbm>>
      %dma_wait3A_529 = arith.constant 0 : i32
      %dma_wait3A_530 = tpu.memref_slice %arg8[%dma_wait3A_529] : memref<6304xi32, #tpu.memory_space<vmem>> -> memref<5680xi32, #tpu.memory_space<vmem>>
      %dma_wait3A_531 = arith.constant 0 : i32
      %dma_wait3A_532 = tpu.memref_slice %arg4[%dma_wait3A_531] : memref<100000xi32, #tpu.memory_space<hbm>> -> memref<5680xi32, #tpu.memory_space<hbm>>
      tpu.wait_dma2 semaphore(%arg17 : memref<!tpu.dma_semaphore, #tpu.memory_space<semaphore_mem>>) src(%dma_wait3A_532 : memref<5680xi32, #tpu.memory_space<hbm>>) dst(%dma_wait3A_530 : memref<5680xi32, #tpu.memory_space<vmem>>)
    } else {
    }
    %not3A = arith.constant true
    %not3A_2 = arith.xori %eq3A_0, %not3A : i1
    %convert_element_type3A_3 = arith.extui %not3A_2 : i1 to i32
    %cond3A_4 = arith.constant 0 : i32
    %cond3A_5 = arith.cmpi ne, %convert_element_type3A_3, %cond3A_4 : i32
    scf.if %cond3A_5 {
      %sub3A_503 = arith.constant 1 : i32
      %sub3A_504 = arith.subi %arg1, %sub3A_503 : i32
      %mul3A_505 = arith.constant 6288 : i32
      %mul3A_506 = arith.muli %sub3A_504, %mul3A_505 : i32
      %add3A_507 = arith.constant 5680 : i32
      %add3A_508 = arith.addi %add3A_507, %mul3A_506 : i32
      %dma_start3A = arith.constant 0 : i32
      %dma_start3A_509 = tpu.memref_slice %arg7[%dma_start3A] : memref<6304xi32, #tpu.memory_space<vmem>> -> memref<6288xi32, #tpu.memory_space<vmem>>
      %dma_start3A_510 = tpu.memref_slice %arg3[%add3A_508] : memref<100000xi32, #tpu.memory_space<hbm>> -> memref<6288xi32, #tpu.memory_space<hbm>>
      %dma_start3A_511 = arith.constant 0 : i32
      %dma_start3A_512 = tpu.memref_slice %arg7[%dma_start3A_511] : memref<6304xi32, #tpu.memory_space<vmem>> -> memref<6288xi32, #tpu.memory_space<vmem>>
      %dma_start3A_513 = tpu.memref_slice %arg3[%add3A_508] : memref<100000xi32, #tpu.memory_space<hbm>> -> memref<6288xi32, #tpu.memory_space<hbm>>
      tpu.enqueue_dma source(%dma_start3A_513 : memref<6288xi32, #tpu.memory_space<hbm>>) target(%dma_start3A_512 : memref<6288xi32, #tpu.memory_space<vmem>>) target_semaphore(%arg16 : memref<!tpu.dma_semaphore, #tpu.memory_space<semaphore_mem>>)
      %dma_start3A_514 = arith.constant 0 : i32
      %dma_start3A_515 = tpu.memref_slice %arg8[%dma_start3A_514] : memref<6304xi32, #tpu.memory_space<vmem>> -> memref<6288xi32, #tpu.memory_space<vmem>>
      %dma_start3A_516 = tpu.memref_slice %arg4[%add3A_508] : memref<100000xi32, #tpu.memory_space<hbm>> -> memref<6288xi32, #tpu.memory_space<hbm>>
      %dma_start3A_517 = arith.constant 0 : i32
      %dma_start3A_518 = tpu.memref_slice %arg8[%dma_start3A_517] : memref<6304xi32, #tpu.memory_space<vmem>> -> memref<6288xi32, #tpu.memory_space<vmem>>
      %dma_start3A_519 = tpu.memref_slice %arg4[%add3A_508] : memref<100000xi32, #tpu.memory_space<hbm>> -> memref<6288xi32, #tpu.memory_space<hbm>>
      tpu.enqueue_dma source(%dma_start3A_519 : memref<6288xi32, #tpu.memory_space<hbm>>) target(%dma_start3A_518 : memref<6288xi32, #tpu.memory_space<vmem>>) target_semaphore(%arg17 : memref<!tpu.dma_semaphore, #tpu.memory_space<semaphore_mem>>)
      %dma_wait3A = arith.constant 0 : i32
      %dma_wait3A_520 = tpu.memref_slice %arg7[%dma_wait3A] : memref<6304xi32, #tpu.memory_space<vmem>> -> memref<6288xi32, #tpu.memory_space<vmem>>
      %dma_wait3A_521 = tpu.memref_slice %arg3[%add3A_508] : memref<100000xi32, #tpu.memory_space<hbm>> -> memref<6288xi32, #tpu.memory_space<hbm>>
      %dma_wait3A_522 = arith.constant 0 : i32
      %dma_wait3A_523 = tpu.memref_slice %arg7[%dma_wait3A_522] : memref<6304xi32, #tpu.memory_space<vmem>> -> memref<6288xi32, #tpu.memory_space<vmem>>
      %dma_wait3A_524 = tpu.memref_slice %arg3[%add3A_508] : memref<100000xi32, #tpu.memory_space<hbm>> -> memref<6288xi32, #tpu.memory_space<hbm>>
      tpu.wait_dma2 semaphore(%arg16 : memref<!tpu.dma_semaphore, #tpu.memory_space<semaphore_mem>>) src(%dma_wait3A_524 : memref<6288xi32, #tpu.memory_space<hbm>>) dst(%dma_wait3A_523 : memref<6288xi32, #tpu.memory_space<vmem>>)
      %dma_wait3A_525 = arith.constant 0 : i32
      %dma_wait3A_526 = tpu.memref_slice %arg8[%dma_wait3A_525] : memref<6304xi32, #tpu.memory_space<vmem>> -> memref<6288xi32, #tpu.memory_space<vmem>>
      %dma_wait3A_527 = tpu.memref_slice %arg4[%add3A_508] : memref<100000xi32, #tpu.memory_space<hbm>> -> memref<6288xi32, #tpu.memory_space<hbm>>
      %dma_wait3A_528 = arith.constant 0 : i32
      %dma_wait3A_529 = tpu.memref_slice %arg8[%dma_wait3A_528] : memref<6304xi32, #tpu.memory_space<vmem>> -> memref<6288xi32, #tpu.memory_space<vmem>>
      %dma_wait3A_530 = tpu.memref_slice %arg4[%add3A_508] : memref<100000xi32, #tpu.memory_space<hbm>> -> memref<6288xi32, #tpu.memory_space<hbm>>
      tpu.wait_dma2 semaphore(%arg17 : memref<!tpu.dma_semaphore, #tpu.memory_space<semaphore_mem>>) src(%dma_wait3A_530 : memref<6288xi32, #tpu.memory_space<hbm>>) dst(%dma_wait3A_529 : memref<6288xi32, #tpu.memory_space<vmem>>)
    } else {
    }
    "tpu.region"() ({
      %run_scoped3A = tpu.sem_alloc : memref<!tpu.dma_semaphore, #tpu.memory_space<semaphore_mem>>
      tpu.enqueue_dma source(%arg5 : memref<128xf32, #tpu.memory_space<hbm>>) target(%arg9 : memref<128xf32, #tpu.memory_space<vmem>>) target_semaphore(%run_scoped3A : memref<!tpu.dma_semaphore, #tpu.memory_space<semaphore_mem>>)
      tpu.wait_dma2 semaphore(%run_scoped3A : memref<!tpu.dma_semaphore, #tpu.memory_space<semaphore_mem>>) src(%arg5 : memref<128xf32, #tpu.memory_space<hbm>>) dst(%arg9 : memref<128xf32, #tpu.memory_space<vmem>>)
      tpu.yield
    }) : () -> ()
    %broadcast_in_dim3A = arith.constant 0.000000e+00 : f32
    %broadcast_in_dim3A_6 = vector.broadcast %broadcast_in_dim3A : f32 to vector<16xf32>
    %swap3A = arith.constant 0 : index
    %swap3A_7 = tpu.vector_load %arg10[%swap3A] {strides = array<i32>} : memref<512xf32, #tpu.memory_space<vmem>>, vector<16xf32>,
    tpu.vector_store %arg10[%swap3A], %broadcast_in_dim3A_6 {strides = array<i32>} : memref<512xf32, #tpu.memory_space<vmem>>, vector<16xf32>,
    %swap3A_8 = arith.constant 16 : index
    %swap3A_9 = tpu.vector_load %arg10[%swap3A_8] {strides = array<i32>} : memref<512xf32, #tpu.memory_space<vmem>>, vector<16xf32>,
    tpu.vector_store %arg10[%swap3A_8], %broadcast_in_dim3A_6 {strides = array<i32>} : memref<512xf32, #tpu.memory_space<vmem>>, vector<16xf32>,
    %swap3A_10 = arith.constant 32 : index
    %swap3A_11 = tpu.vector_load %arg10[%swap3A_10] {strides = array<i32>} : memref<512xf32, #tpu.memory_space<vmem>>, vector<16xf32>,
    tpu.vector_store %arg10[%swap3A_10], %broadcast_in_dim3A_6 {strides = array<i32>} : memref<512xf32, #tpu.memory_space<vmem>>, vector<16xf32>,
    %swap3A_12 = arith.constant 48 : index
    %swap3A_13 = tpu.vector_load %arg10[%swap3A_12] {strides = array<i32>} : memref<512xf32, #tpu.memory_space<vmem>>, vector<16xf32>,
    tpu.vector_store %arg10[%swap3A_12], %broadcast_in_dim3A_6 {strides = array<i32>} : memref<512xf32, #tpu.memory_space<vmem>>, vector<16xf32>,
    %swap3A_14 = arith.constant 64 : index
    %swap3A_15 = tpu.vector_load %arg10[%swap3A_14] {strides = array<i32>} : memref<512xf32, #tpu.memory_space<vmem>>, vector<16xf32>,
    tpu.vector_store %arg10[%swap3A_14], %broadcast_in_dim3A_6 {strides = array<i32>} : memref<512xf32, #tpu.memory_space<vmem>>, vector<16xf32>,
    %swap3A_16 = arith.constant 80 : index
    %swap3A_17 = tpu.vector_load %arg10[%swap3A_16] {strides = array<i32>} : memref<512xf32, #tpu.memory_space<vmem>>, vector<16xf32>,
    tpu.vector_store %arg10[%swap3A_16], %broadcast_in_dim3A_6 {strides = array<i32>} : memref<512xf32, #tpu.memory_space<vmem>>, vector<16xf32>,
    %swap3A_18 = arith.constant 96 : index
    %swap3A_19 = tpu.vector_load %arg10[%swap3A_18] {strides = array<i32>} : memref<512xf32, #tpu.memory_space<vmem>>, vector<16xf32>,
    tpu.vector_store %arg10[%swap3A_18], %broadcast_in_dim3A_6 {strides = array<i32>} : memref<512xf32, #tpu.memory_space<vmem>>, vector<16xf32>,
    %swap3A_20 = arith.constant 112 : index
    %swap3A_21 = tpu.vector_load %arg10[%swap3A_20] {strides = array<i32>} : memref<512xf32, #tpu.memory_space<vmem>>, vector<16xf32>,
    tpu.vector_store %arg10[%swap3A_20], %broadcast_in_dim3A_6 {strides = array<i32>} : memref<512xf32, #tpu.memory_space<vmem>>, vector<16xf32>,
    %swap3A_22 = arith.constant 128 : index
    %swap3A_23 = tpu.vector_load %arg10[%swap3A_22] {strides = array<i32>} : memref<512xf32, #tpu.memory_space<vmem>>, vector<16xf32>,
    tpu.vector_store %arg10[%swap3A_22], %broadcast_in_dim3A_6 {strides = array<i32>} : memref<512xf32, #tpu.memory_space<vmem>>, vector<16xf32>,
    %swap3A_24 = arith.constant 144 : index
    %swap3A_25 = tpu.vector_load %arg10[%swap3A_24] {strides = array<i32>} : memref<512xf32, #tpu.memory_space<vmem>>, vector<16xf32>,
    tpu.vector_store %arg10[%swap3A_24], %broadcast_in_dim3A_6 {strides = array<i32>} : memref<512xf32, #tpu.memory_space<vmem>>, vector<16xf32>,
    %swap3A_26 = arith.constant 160 : index
    %swap3A_27 = tpu.vector_load %arg10[%swap3A_26] {strides = array<i32>} : memref<512xf32, #tpu.memory_space<vmem>>, vector<16xf32>,
    tpu.vector_store %arg10[%swap3A_26], %broadcast_in_dim3A_6 {strides = array<i32>} : memref<512xf32, #tpu.memory_space<vmem>>, vector<16xf32>,
    %swap3A_28 = arith.constant 176 : index
    %swap3A_29 = tpu.vector_load %arg10[%swap3A_28] {strides = array<i32>} : memref<512xf32, #tpu.memory_space<vmem>>, vector<16xf32>,
    tpu.vector_store %arg10[%swap3A_28], %broadcast_in_dim3A_6 {strides = array<i32>} : memref<512xf32, #tpu.memory_space<vmem>>, vector<16xf32>,
    %swap3A_30 = arith.constant 192 : index
    %swap3A_31 = tpu.vector_load %arg10[%swap3A_30] {strides = array<i32>} : memref<512xf32, #tpu.memory_space<vmem>>, vector<16xf32>,
    tpu.vector_store %arg10[%swap3A_30], %broadcast_in_dim3A_6 {strides = array<i32>} : memref<512xf32, #tpu.memory_space<vmem>>, vector<16xf32>,
    %swap3A_32 = arith.constant 208 : index
    %swap3A_33 = tpu.vector_load %arg10[%swap3A_32] {strides = array<i32>} : memref<512xf32, #tpu.memory_space<vmem>>, vector<16xf32>,
    tpu.vector_store %arg10[%swap3A_32], %broadcast_in_dim3A_6 {strides = array<i32>} : memref<512xf32, #tpu.memory_space<vmem>>, vector<16xf32>,
    %swap3A_34 = arith.constant 224 : index
    %swap3A_35 = tpu.vector_load %arg10[%swap3A_34] {strides = array<i32>} : memref<512xf32, #tpu.memory_space<vmem>>, vector<16xf32>,
    tpu.vector_store %arg10[%swap3A_34], %broadcast_in_dim3A_6 {strides = array<i32>} : memref<512xf32, #tpu.memory_space<vmem>>, vector<16xf32>,
    %swap3A_36 = arith.constant 240 : index
    %swap3A_37 = tpu.vector_load %arg10[%swap3A_36] {strides = array<i32>} : memref<512xf32, #tpu.memory_space<vmem>>, vector<16xf32>,
    tpu.vector_store %arg10[%swap3A_36], %broadcast_in_dim3A_6 {strides = array<i32>} : memref<512xf32, #tpu.memory_space<vmem>>, vector<16xf32>,
    %swap3A_38 = arith.constant 256 : index
    %swap3A_39 = tpu.vector_load %arg10[%swap3A_38] {strides = array<i32>} : memref<512xf32, #tpu.memory_space<vmem>>, vector<16xf32>,
    tpu.vector_store %arg10[%swap3A_38], %broadcast_in_dim3A_6 {strides = array<i32>} : memref<512xf32, #tpu.memory_space<vmem>>, vector<16xf32>,
    %swap3A_40 = arith.constant 272 : index
    %swap3A_41 = tpu.vector_load %arg10[%swap3A_40] {strides = array<i32>} : memref<512xf32, #tpu.memory_space<vmem>>, vector<16xf32>,
    tpu.vector_store %arg10[%swap3A_40], %broadcast_in_dim3A_6 {strides = array<i32>} : memref<512xf32, #tpu.memory_space<vmem>>, vector<16xf32>,
    %swap3A_42 = arith.constant 288 : index
    %swap3A_43 = tpu.vector_load %arg10[%swap3A_42] {strides = array<i32>} : memref<512xf32, #tpu.memory_space<vmem>>, vector<16xf32>,
    tpu.vector_store %arg10[%swap3A_42], %broadcast_in_dim3A_6 {strides = array<i32>} : memref<512xf32, #tpu.memory_space<vmem>>, vector<16xf32>,
    %swap3A_44 = arith.constant 304 : index
    %swap3A_45 = tpu.vector_load %arg10[%swap3A_44] {strides = array<i32>} : memref<512xf32, #tpu.memory_space<vmem>>, vector<16xf32>,
    tpu.vector_store %arg10[%swap3A_44], %broadcast_in_dim3A_6 {strides = array<i32>} : memref<512xf32, #tpu.memory_space<vmem>>, vector<16xf32>,
    %swap3A_46 = arith.constant 320 : index
    %swap3A_47 = tpu.vector_load %arg10[%swap3A_46] {strides = array<i32>} : memref<512xf32, #tpu.memory_space<vmem>>, vector<16xf32>,
    tpu.vector_store %arg10[%swap3A_46], %broadcast_in_dim3A_6 {strides = array<i32>} : memref<512xf32, #tpu.memory_space<vmem>>, vector<16xf32>,
    %swap3A_48 = arith.constant 336 : index
    %swap3A_49 = tpu.vector_load %arg10[%swap3A_48] {strides = array<i32>} : memref<512xf32, #tpu.memory_space<vmem>>, vector<16xf32>,
    tpu.vector_store %arg10[%swap3A_48], %broadcast_in_dim3A_6 {strides = array<i32>} : memref<512xf32, #tpu.memory_space<vmem>>, vector<16xf32>,
    %swap3A_50 = arith.constant 352 : index
    %swap3A_51 = tpu.vector_load %arg10[%swap3A_50] {strides = array<i32>} : memref<512xf32, #tpu.memory_space<vmem>>, vector<16xf32>,
    tpu.vector_store %arg10[%swap3A_50], %broadcast_in_dim3A_6 {strides = array<i32>} : memref<512xf32, #tpu.memory_space<vmem>>, vector<16xf32>,
    %swap3A_52 = arith.constant 368 : index
    %swap3A_53 = tpu.vector_load %arg10[%swap3A_52] {strides = array<i32>} : memref<512xf32, #tpu.memory_space<vmem>>, vector<16xf32>,
    tpu.vector_store %arg10[%swap3A_52], %broadcast_in_dim3A_6 {strides = array<i32>} : memref<512xf32, #tpu.memory_space<vmem>>, vector<16xf32>,
    %swap3A_54 = arith.constant 384 : index
    %swap3A_55 = tpu.vector_load %arg10[%swap3A_54] {strides = array<i32>} : memref<512xf32, #tpu.memory_space<vmem>>, vector<16xf32>,
    tpu.vector_store %arg10[%swap3A_54], %broadcast_in_dim3A_6 {strides = array<i32>} : memref<512xf32, #tpu.memory_space<vmem>>, vector<16xf32>,
    %swap3A_56 = arith.constant 400 : index
    %swap3A_57 = tpu.vector_load %arg10[%swap3A_56] {strides = array<i32>} : memref<512xf32, #tpu.memory_space<vmem>>, vector<16xf32>,
    tpu.vector_store %arg10[%swap3A_56], %broadcast_in_dim3A_6 {strides = array<i32>} : memref<512xf32, #tpu.memory_space<vmem>>, vector<16xf32>,
    %swap3A_58 = arith.constant 416 : index
    %swap3A_59 = tpu.vector_load %arg10[%swap3A_58] {strides = array<i32>} : memref<512xf32, #tpu.memory_space<vmem>>, vector<16xf32>,
    tpu.vector_store %arg10[%swap3A_58], %broadcast_in_dim3A_6 {strides = array<i32>} : memref<512xf32, #tpu.memory_space<vmem>>, vector<16xf32>,
    %swap3A_60 = arith.constant 432 : index
    %swap3A_61 = tpu.vector_load %arg10[%swap3A_60] {strides = array<i32>} : memref<512xf32, #tpu.memory_space<vmem>>, vector<16xf32>,
    tpu.vector_store %arg10[%swap3A_60], %broadcast_in_dim3A_6 {strides = array<i32>} : memref<512xf32, #tpu.memory_space<vmem>>, vector<16xf32>,
    %swap3A_62 = arith.constant 448 : index
    %swap3A_63 = tpu.vector_load %arg10[%swap3A_62] {strides = array<i32>} : memref<512xf32, #tpu.memory_space<vmem>>, vector<16xf32>,
    tpu.vector_store %arg10[%swap3A_62], %broadcast_in_dim3A_6 {strides = array<i32>} : memref<512xf32, #tpu.memory_space<vmem>>, vector<16xf32>,
    %swap3A_64 = arith.constant 464 : index
    %swap3A_65 = tpu.vector_load %arg10[%swap3A_64] {strides = array<i32>} : memref<512xf32, #tpu.memory_space<vmem>>, vector<16xf32>,
    tpu.vector_store %arg10[%swap3A_64], %broadcast_in_dim3A_6 {strides = array<i32>} : memref<512xf32, #tpu.memory_space<vmem>>, vector<16xf32>,
    %swap3A_66 = arith.constant 480 : index
    %swap3A_67 = tpu.vector_load %arg10[%swap3A_66] {strides = array<i32>} : memref<512xf32, #tpu.memory_space<vmem>>, vector<16xf32>,
    tpu.vector_store %arg10[%swap3A_66], %broadcast_in_dim3A_6 {strides = array<i32>} : memref<512xf32, #tpu.memory_space<vmem>>, vector<16xf32>,
    %swap3A_68 = arith.constant 496 : index
    %swap3A_69 = tpu.vector_load %arg10[%swap3A_68] {strides = array<i32>} : memref<512xf32, #tpu.memory_space<vmem>>, vector<16xf32>,
    tpu.vector_store %arg10[%swap3A_68], %broadcast_in_dim3A_6 {strides = array<i32>} : memref<512xf32, #tpu.memory_space<vmem>>, vector<16xf32>,
    %iota3A = tpu.iota {dimensions = array<i32: 0>} : vector<16xi32>
    %add3A = arith.constant 0 : i32
    %add3A_70 = vector.broadcast %add3A : i32 to vector<16xi32>
    %add3A_71 = arith.addi %iota3A, %add3A_70 : vector<16xi32>
    %swap3A_72 = arith.constant 0 : index
    %swap3A_73 = tpu.vector_load %arg11[%swap3A_72] {strides = array<i32>} : memref<128xi32, #tpu.memory_space<vmem>>, vector<16xi32>,
    tpu.vector_store %arg11[%swap3A_72], %add3A_71 {strides = array<i32>} : memref<128xi32, #tpu.memory_space<vmem>>, vector<16xi32>,
    %add3A_74 = arith.constant 16 : i32
    %add3A_75 = vector.broadcast %add3A_74 : i32 to vector<16xi32>
    %add3A_76 = arith.addi %iota3A, %add3A_75 : vector<16xi32>
    %swap3A_77 = arith.constant 16 : index
    %swap3A_78 = tpu.vector_load %arg11[%swap3A_77] {strides = array<i32>} : memref<128xi32, #tpu.memory_space<vmem>>, vector<16xi32>,
    tpu.vector_store %arg11[%swap3A_77], %add3A_76 {strides = array<i32>} : memref<128xi32, #tpu.memory_space<vmem>>, vector<16xi32>,
    %add3A_79 = arith.constant 32 : i32
    %add3A_80 = vector.broadcast %add3A_79 : i32 to vector<16xi32>
    %add3A_81 = arith.addi %iota3A, %add3A_80 : vector<16xi32>
    %swap3A_82 = arith.constant 32 : index
    %swap3A_83 = tpu.vector_load %arg11[%swap3A_82] {strides = array<i32>} : memref<128xi32, #tpu.memory_space<vmem>>, vector<16xi32>,
    tpu.vector_store %arg11[%swap3A_82], %add3A_81 {strides = array<i32>} : memref<128xi32, #tpu.memory_space<vmem>>, vector<16xi32>,
    %add3A_84 = arith.constant 48 : i32
    %add3A_85 = vector.broadcast %add3A_84 : i32 to vector<16xi32>
    %add3A_86 = arith.addi %iota3A, %add3A_85 : vector<16xi32>
    %swap3A_87 = arith.constant 48 : index
    %swap3A_88 = tpu.vector_load %arg11[%swap3A_87] {strides = array<i32>} : memref<128xi32, #tpu.memory_space<vmem>>, vector<16xi32>,
    tpu.vector_store %arg11[%swap3A_87], %add3A_86 {strides = array<i32>} : memref<128xi32, #tpu.memory_space<vmem>>, vector<16xi32>,
    %add3A_89 = arith.constant 64 : i32
    %add3A_90 = vector.broadcast %add3A_89 : i32 to vector<16xi32>
    %add3A_91 = arith.addi %iota3A, %add3A_90 : vector<16xi32>
    %swap3A_92 = arith.constant 64 : index
    %swap3A_93 = tpu.vector_load %arg11[%swap3A_92] {strides = array<i32>} : memref<128xi32, #tpu.memory_space<vmem>>, vector<16xi32>,
    tpu.vector_store %arg11[%swap3A_92], %add3A_91 {strides = array<i32>} : memref<128xi32, #tpu.memory_space<vmem>>, vector<16xi32>,
    %add3A_94 = arith.constant 80 : i32
    %add3A_95 = vector.broadcast %add3A_94 : i32 to vector<16xi32>
    %add3A_96 = arith.addi %iota3A, %add3A_95 : vector<16xi32>
    %swap3A_97 = arith.constant 80 : index
    %swap3A_98 = tpu.vector_load %arg11[%swap3A_97] {strides = array<i32>} : memref<128xi32, #tpu.memory_space<vmem>>, vector<16xi32>,
    tpu.vector_store %arg11[%swap3A_97], %add3A_96 {strides = array<i32>} : memref<128xi32, #tpu.memory_space<vmem>>, vector<16xi32>,
    %add3A_99 = arith.constant 96 : i32
    %add3A_100 = vector.broadcast %add3A_99 : i32 to vector<16xi32>
    %add3A_101 = arith.addi %iota3A, %add3A_100 : vector<16xi32>
    %swap3A_102 = arith.constant 96 : index
    %swap3A_103 = tpu.vector_load %arg11[%swap3A_102] {strides = array<i32>} : memref<128xi32, #tpu.memory_space<vmem>>, vector<16xi32>,
    tpu.vector_store %arg11[%swap3A_102], %add3A_101 {strides = array<i32>} : memref<128xi32, #tpu.memory_space<vmem>>, vector<16xi32>,
    %add3A_104 = arith.constant 112 : i32
    %add3A_105 = vector.broadcast %add3A_104 : i32 to vector<16xi32>
    %add3A_106 = arith.addi %iota3A, %add3A_105 : vector<16xi32>
    %swap3A_107 = arith.constant 112 : index
    %swap3A_108 = tpu.vector_load %arg11[%swap3A_107] {strides = array<i32>} : memref<128xi32, #tpu.memory_space<vmem>>, vector<16xi32>,
    tpu.vector_store %arg11[%swap3A_107], %add3A_106 {strides = array<i32>} : memref<128xi32, #tpu.memory_space<vmem>>, vector<16xi32>,
    %add3A_109 = arith.constant 128 : i32
    %add3A_110 = vector.broadcast %add3A_109 : i32 to vector<16xi32>
    %add3A_111 = arith.addi %iota3A, %add3A_110 : vector<16xi32>
    %swap3A_112 = arith.constant 0 : index
    %swap3A_113 = tpu.vector_load %arg12[%swap3A_112] {strides = array<i32>} : memref<128xi32, #tpu.memory_space<vmem>>, vector<16xi32>,
    tpu.vector_store %arg12[%swap3A_112], %add3A_111 {strides = array<i32>} : memref<128xi32, #tpu.memory_space<vmem>>, vector<16xi32>,
    %add3A_114 = arith.constant 144 : i32
    %add3A_115 = vector.broadcast %add3A_114 : i32 to vector<16xi32>
    %add3A_116 = arith.addi %iota3A, %add3A_115 : vector<16xi32>
    %swap3A_117 = arith.constant 16 : index
    %swap3A_118 = tpu.vector_load %arg12[%swap3A_117] {strides = array<i32>} : memref<128xi32, #tpu.memory_space<vmem>>, vector<16xi32>,
    tpu.vector_store %arg12[%swap3A_117], %add3A_116 {strides = array<i32>} : memref<128xi32, #tpu.memory_space<vmem>>, vector<16xi32>,
    %add3A_119 = arith.constant 160 : i32
    %add3A_120 = vector.broadcast %add3A_119 : i32 to vector<16xi32>
    %add3A_121 = arith.addi %iota3A, %add3A_120 : vector<16xi32>
    %swap3A_122 = arith.constant 32 : index
    %swap3A_123 = tpu.vector_load %arg12[%swap3A_122] {strides = array<i32>} : memref<128xi32, #tpu.memory_space<vmem>>, vector<16xi32>,
    tpu.vector_store %arg12[%swap3A_122], %add3A_121 {strides = array<i32>} : memref<128xi32, #tpu.memory_space<vmem>>, vector<16xi32>,
    %add3A_124 = arith.constant 176 : i32
    %add3A_125 = vector.broadcast %add3A_124 : i32 to vector<16xi32>
    %add3A_126 = arith.addi %iota3A, %add3A_125 : vector<16xi32>
    %swap3A_127 = arith.constant 48 : index
    %swap3A_128 = tpu.vector_load %arg12[%swap3A_127] {strides = array<i32>} : memref<128xi32, #tpu.memory_space<vmem>>, vector<16xi32>,
    tpu.vector_store %arg12[%swap3A_127], %add3A_126 {strides = array<i32>} : memref<128xi32, #tpu.memory_space<vmem>>, vector<16xi32>,
    %add3A_129 = arith.constant 192 : i32
    %add3A_130 = vector.broadcast %add3A_129 : i32 to vector<16xi32>
    %add3A_131 = arith.addi %iota3A, %add3A_130 : vector<16xi32>
    %swap3A_132 = arith.constant 64 : index
    %swap3A_133 = tpu.vector_load %arg12[%swap3A_132] {strides = array<i32>} : memref<128xi32, #tpu.memory_space<vmem>>, vector<16xi32>,
    tpu.vector_store %arg12[%swap3A_132], %add3A_131 {strides = array<i32>} : memref<128xi32, #tpu.memory_space<vmem>>, vector<16xi32>,
    %add3A_134 = arith.constant 208 : i32
    %add3A_135 = vector.broadcast %add3A_134 : i32 to vector<16xi32>
    %add3A_136 = arith.addi %iota3A, %add3A_135 : vector<16xi32>
    %swap3A_137 = arith.constant 80 : index
    %swap3A_138 = tpu.vector_load %arg12[%swap3A_137] {strides = array<i32>} : memref<128xi32, #tpu.memory_space<vmem>>, vector<16xi32>,
    tpu.vector_store %arg12[%swap3A_137], %add3A_136 {strides = array<i32>} : memref<128xi32, #tpu.memory_space<vmem>>, vector<16xi32>,
    %add3A_139 = arith.constant 224 : i32
    %add3A_140 = vector.broadcast %add3A_139 : i32 to vector<16xi32>
    %add3A_141 = arith.addi %iota3A, %add3A_140 : vector<16xi32>
    %swap3A_142 = arith.constant 96 : index
    %swap3A_143 = tpu.vector_load %arg12[%swap3A_142] {strides = array<i32>} : memref<128xi32, #tpu.memory_space<vmem>>, vector<16xi32>,
    tpu.vector_store %arg12[%swap3A_142], %add3A_141 {strides = array<i32>} : memref<128xi32, #tpu.memory_space<vmem>>, vector<16xi32>,
    %add3A_144 = arith.constant 240 : i32
    %add3A_145 = vector.broadcast %add3A_144 : i32 to vector<16xi32>
    %add3A_146 = arith.addi %iota3A, %add3A_145 : vector<16xi32>
    %swap3A_147 = arith.constant 112 : index
    %swap3A_148 = tpu.vector_load %arg12[%swap3A_147] {strides = array<i32>} : memref<128xi32, #tpu.memory_space<vmem>>, vector<16xi32>,
    tpu.vector_store %arg12[%swap3A_147], %add3A_146 {strides = array<i32>} : memref<128xi32, #tpu.memory_space<vmem>>, vector<16xi32>,
    %add3A_149 = arith.constant 256 : i32
    %add3A_150 = vector.broadcast %add3A_149 : i32 to vector<16xi32>
    %add3A_151 = arith.addi %iota3A, %add3A_150 : vector<16xi32>
    %swap3A_152 = arith.constant 0 : index
    %swap3A_153 = tpu.vector_load %arg13[%swap3A_152] {strides = array<i32>} : memref<128xi32, #tpu.memory_space<vmem>>, vector<16xi32>,
    tpu.vector_store %arg13[%swap3A_152], %add3A_151 {strides = array<i32>} : memref<128xi32, #tpu.memory_space<vmem>>, vector<16xi32>,
    %add3A_154 = arith.constant 272 : i32
    %add3A_155 = vector.broadcast %add3A_154 : i32 to vector<16xi32>
    %add3A_156 = arith.addi %iota3A, %add3A_155 : vector<16xi32>
    %swap3A_157 = arith.constant 16 : index
    %swap3A_158 = tpu.vector_load %arg13[%swap3A_157] {strides = array<i32>} : memref<128xi32, #tpu.memory_space<vmem>>, vector<16xi32>,
    tpu.vector_store %arg13[%swap3A_157], %add3A_156 {strides = array<i32>} : memref<128xi32, #tpu.memory_space<vmem>>, vector<16xi32>,
    %add3A_159 = arith.constant 288 : i32
    %add3A_160 = vector.broadcast %add3A_159 : i32 to vector<16xi32>
    %add3A_161 = arith.addi %iota3A, %add3A_160 : vector<16xi32>
    %swap3A_162 = arith.constant 32 : index
    %swap3A_163 = tpu.vector_load %arg13[%swap3A_162] {strides = array<i32>} : memref<128xi32, #tpu.memory_space<vmem>>, vector<16xi32>,
    tpu.vector_store %arg13[%swap3A_162], %add3A_161 {strides = array<i32>} : memref<128xi32, #tpu.memory_space<vmem>>, vector<16xi32>,
    %add3A_164 = arith.constant 304 : i32
    %add3A_165 = vector.broadcast %add3A_164 : i32 to vector<16xi32>
    %add3A_166 = arith.addi %iota3A, %add3A_165 : vector<16xi32>
    %swap3A_167 = arith.constant 48 : index
    %swap3A_168 = tpu.vector_load %arg13[%swap3A_167] {strides = array<i32>} : memref<128xi32, #tpu.memory_space<vmem>>, vector<16xi32>,
    tpu.vector_store %arg13[%swap3A_167], %add3A_166 {strides = array<i32>} : memref<128xi32, #tpu.memory_space<vmem>>, vector<16xi32>,
    %add3A_169 = arith.constant 320 : i32
    %add3A_170 = vector.broadcast %add3A_169 : i32 to vector<16xi32>
    %add3A_171 = arith.addi %iota3A, %add3A_170 : vector<16xi32>
    %swap3A_172 = arith.constant 64 : index
    %swap3A_173 = tpu.vector_load %arg13[%swap3A_172] {strides = array<i32>} : memref<128xi32, #tpu.memory_space<vmem>>, vector<16xi32>,
    tpu.vector_store %arg13[%swap3A_172], %add3A_171 {strides = array<i32>} : memref<128xi32, #tpu.memory_space<vmem>>, vector<16xi32>,
    %add3A_174 = arith.constant 336 : i32
    %add3A_175 = vector.broadcast %add3A_174 : i32 to vector<16xi32>
    %add3A_176 = arith.addi %iota3A, %add3A_175 : vector<16xi32>
    %swap3A_177 = arith.constant 80 : index
    %swap3A_178 = tpu.vector_load %arg13[%swap3A_177] {strides = array<i32>} : memref<128xi32, #tpu.memory_space<vmem>>, vector<16xi32>,
    tpu.vector_store %arg13[%swap3A_177], %add3A_176 {strides = array<i32>} : memref<128xi32, #tpu.memory_space<vmem>>, vector<16xi32>,
    %add3A_179 = arith.constant 352 : i32
    %add3A_180 = vector.broadcast %add3A_179 : i32 to vector<16xi32>
    %add3A_181 = arith.addi %iota3A, %add3A_180 : vector<16xi32>
    %swap3A_182 = arith.constant 96 : index
    %swap3A_183 = tpu.vector_load %arg13[%swap3A_182] {strides = array<i32>} : memref<128xi32, #tpu.memory_space<vmem>>, vector<16xi32>,
    tpu.vector_store %arg13[%swap3A_182], %add3A_181 {strides = array<i32>} : memref<128xi32, #tpu.memory_space<vmem>>, vector<16xi32>,
    %add3A_184 = arith.constant 368 : i32
    %add3A_185 = vector.broadcast %add3A_184 : i32 to vector<16xi32>
    %add3A_186 = arith.addi %iota3A, %add3A_185 : vector<16xi32>
    %swap3A_187 = arith.constant 112 : index
    %swap3A_188 = tpu.vector_load %arg13[%swap3A_187] {strides = array<i32>} : memref<128xi32, #tpu.memory_space<vmem>>, vector<16xi32>,
    tpu.vector_store %arg13[%swap3A_187], %add3A_186 {strides = array<i32>} : memref<128xi32, #tpu.memory_space<vmem>>, vector<16xi32>,
    %add3A_189 = arith.constant 384 : i32
    %add3A_190 = vector.broadcast %add3A_189 : i32 to vector<16xi32>
    %add3A_191 = arith.addi %iota3A, %add3A_190 : vector<16xi32>
    %swap3A_192 = arith.constant 0 : index
    %swap3A_193 = tpu.vector_load %arg14[%swap3A_192] {strides = array<i32>} : memref<128xi32, #tpu.memory_space<vmem>>, vector<16xi32>,
    tpu.vector_store %arg14[%swap3A_192], %add3A_191 {strides = array<i32>} : memref<128xi32, #tpu.memory_space<vmem>>, vector<16xi32>,
    %add3A_194 = arith.constant 400 : i32
    %add3A_195 = vector.broadcast %add3A_194 : i32 to vector<16xi32>
    %add3A_196 = arith.addi %iota3A, %add3A_195 : vector<16xi32>
    %swap3A_197 = arith.constant 16 : index
    %swap3A_198 = tpu.vector_load %arg14[%swap3A_197] {strides = array<i32>} : memref<128xi32, #tpu.memory_space<vmem>>, vector<16xi32>,
    tpu.vector_store %arg14[%swap3A_197], %add3A_196 {strides = array<i32>} : memref<128xi32, #tpu.memory_space<vmem>>, vector<16xi32>,
    %add3A_199 = arith.constant 416 : i32
    %add3A_200 = vector.broadcast %add3A_199 : i32 to vector<16xi32>
    %add3A_201 = arith.addi %iota3A, %add3A_200 : vector<16xi32>
    %swap3A_202 = arith.constant 32 : index
    %swap3A_203 = tpu.vector_load %arg14[%swap3A_202] {strides = array<i32>} : memref<128xi32, #tpu.memory_space<vmem>>, vector<16xi32>,
    tpu.vector_store %arg14[%swap3A_202], %add3A_201 {strides = array<i32>} : memref<128xi32, #tpu.memory_space<vmem>>, vector<16xi32>,
    %add3A_204 = arith.constant 432 : i32
    %add3A_205 = vector.broadcast %add3A_204 : i32 to vector<16xi32>
    %add3A_206 = arith.addi %iota3A, %add3A_205 : vector<16xi32>
    %swap3A_207 = arith.constant 48 : index
    %swap3A_208 = tpu.vector_load %arg14[%swap3A_207] {strides = array<i32>} : memref<128xi32, #tpu.memory_space<vmem>>, vector<16xi32>,
    tpu.vector_store %arg14[%swap3A_207], %add3A_206 {strides = array<i32>} : memref<128xi32, #tpu.memory_space<vmem>>, vector<16xi32>,
    %add3A_209 = arith.constant 448 : i32
    %add3A_210 = vector.broadcast %add3A_209 : i32 to vector<16xi32>
    %add3A_211 = arith.addi %iota3A, %add3A_210 : vector<16xi32>
    %swap3A_212 = arith.constant 64 : index
    %swap3A_213 = tpu.vector_load %arg14[%swap3A_212] {strides = array<i32>} : memref<128xi32, #tpu.memory_space<vmem>>, vector<16xi32>,
    tpu.vector_store %arg14[%swap3A_212], %add3A_211 {strides = array<i32>} : memref<128xi32, #tpu.memory_space<vmem>>, vector<16xi32>,
    %add3A_214 = arith.constant 464 : i32
    %add3A_215 = vector.broadcast %add3A_214 : i32 to vector<16xi32>
    %add3A_216 = arith.addi %iota3A, %add3A_215 : vector<16xi32>
    %swap3A_217 = arith.constant 80 : index
    %swap3A_218 = tpu.vector_load %arg14[%swap3A_217] {strides = array<i32>} : memref<128xi32, #tpu.memory_space<vmem>>, vector<16xi32>,
    tpu.vector_store %arg14[%swap3A_217], %add3A_216 {strides = array<i32>} : memref<128xi32, #tpu.memory_space<vmem>>, vector<16xi32>,
    %add3A_219 = arith.constant 480 : i32
    %add3A_220 = vector.broadcast %add3A_219 : i32 to vector<16xi32>
    %add3A_221 = arith.addi %iota3A, %add3A_220 : vector<16xi32>
    %swap3A_222 = arith.constant 96 : index
    %swap3A_223 = tpu.vector_load %arg14[%swap3A_222] {strides = array<i32>} : memref<128xi32, #tpu.memory_space<vmem>>, vector<16xi32>,
    tpu.vector_store %arg14[%swap3A_222], %add3A_221 {strides = array<i32>} : memref<128xi32, #tpu.memory_space<vmem>>, vector<16xi32>,
    %add3A_224 = arith.constant 496 : i32
    %add3A_225 = vector.broadcast %add3A_224 : i32 to vector<16xi32>
    %add3A_226 = arith.addi %iota3A, %add3A_225 : vector<16xi32>
    %swap3A_227 = arith.constant 112 : index
    %swap3A_228 = tpu.vector_load %arg14[%swap3A_227] {strides = array<i32>} : memref<128xi32, #tpu.memory_space<vmem>>, vector<16xi32>,
    tpu.vector_store %arg14[%swap3A_227], %add3A_226 {strides = array<i32>} : memref<128xi32, #tpu.memory_space<vmem>>, vector<16xi32>,
    %barrier3A = arith.constant 0 : index
    tpu.barrier barrier_id(%barrier3A)
    %jit3A = arith.constant 355 : i32
    %jit3A_229 = arith.constant 393 : i32
    %select_n3A = arith.select %eq3A_0, %jit3A, %jit3A_229 : i32
    %jit3A_230 = arith.constant 44 : i32
    %jit3A_231 = arith.constant 49 : i32
    %select_n3A_232 = arith.select %eq3A_0, %jit3A_230, %jit3A_231 : i32
    %mul3A = vector.broadcast %select_n3A : i32 to vector<16xi32>
    %mul3A_233 = arith.muli %iota3A, %mul3A : vector<16xi32>
    %while3A = arith.constant 0 : i32
    %while3A_234 = arith.constant 0 : i32
    %while3A_235 = arith.subi %select_n3A_232, %while3A_234 : i32
    %while3A_236 = arith.addi %while3A_234, %while3A_235 : i32
    %while3A_237 = arith.constant 1 : i32
    %while3A_238 = arith.divsi %while3A_235, %while3A_237 : i32
    %while3A_239 = arith.muli %while3A_238, %while3A_237 : i32
    %while3A_240 = arith.addi %while3A_234, %while3A_239 : i32
    %while3A_241 = arith.constant 1 : i32
    scf.for %while3A_503 = %while3A_234 to %while3A_240 step %while3A_241  : i32 {
      %mul3A_504 = arith.constant 8 : i32
      %mul3A_505 = arith.muli %while3A_503, %mul3A_504 : i32
      %add3A_506 = arith.constant 0 : i32
      %add3A_507 = arith.addi %mul3A_505, %add3A_506 : i32
      %add3A_508 = vector.broadcast %add3A_507 : i32 to vector<16xi32>
      %add3A_509 = arith.addi %mul3A_233, %add3A_508 : vector<16xi32>
      %gather3A_510 = tpu.vector_load_idx %arg7[%add3A_509] : memref<6304xi32, #tpu.memory_space<vmem>>[vector<16xi32>], vector<16xi32>,
      %gather3A_511 = tpu.vector_load_idx %arg8[%add3A_509] : memref<6304xi32, #tpu.memory_space<vmem>>[vector<16xi32>], vector<16xi32>,
      %gather3A_512 = tpu.vector_load_idx %arg9[%gather3A_510] : memref<128xf32, #tpu.memory_space<vmem>>[vector<16xi32>], vector<16xf32>,
      tpu.vector_store_idx %arg10[%gather3A_511], %gather3A_512 {add = true} : memref<512xf32, #tpu.memory_space<vmem>>[vector<16xi32>], vector<16xf32>,
      %add3A_513 = arith.constant 1 : i32
      %add3A_514 = arith.addi %mul3A_505, %add3A_513 : i32
      %add3A_515 = vector.broadcast %add3A_514 : i32 to vector<16xi32>
      %add3A_516 = arith.addi %mul3A_233, %add3A_515 : vector<16xi32>
      %gather3A_517 = tpu.vector_load_idx %arg7[%add3A_516] : memref<6304xi32, #tpu.memory_space<vmem>>[vector<16xi32>], vector<16xi32>,
      %gather3A_518 = tpu.vector_load_idx %arg8[%add3A_516] : memref<6304xi32, #tpu.memory_space<vmem>>[vector<16xi32>], vector<16xi32>,
      %gather3A_519 = tpu.vector_load_idx %arg9[%gather3A_517] : memref<128xf32, #tpu.memory_space<vmem>>[vector<16xi32>], vector<16xf32>,
      tpu.vector_store_idx %arg10[%gather3A_518], %gather3A_519 {add = true} : memref<512xf32, #tpu.memory_space<vmem>>[vector<16xi32>], vector<16xf32>,
      %add3A_520 = arith.constant 2 : i32
      %add3A_521 = arith.addi %mul3A_505, %add3A_520 : i32
      %add3A_522 = vector.broadcast %add3A_521 : i32 to vector<16xi32>
      %add3A_523 = arith.addi %mul3A_233, %add3A_522 : vector<16xi32>
      %gather3A_524 = tpu.vector_load_idx %arg7[%add3A_523] : memref<6304xi32, #tpu.memory_space<vmem>>[vector<16xi32>], vector<16xi32>,
      %gather3A_525 = tpu.vector_load_idx %arg8[%add3A_523] : memref<6304xi32, #tpu.memory_space<vmem>>[vector<16xi32>], vector<16xi32>,
      %gather3A_526 = tpu.vector_load_idx %arg9[%gather3A_524] : memref<128xf32, #tpu.memory_space<vmem>>[vector<16xi32>], vector<16xf32>,
      tpu.vector_store_idx %arg10[%gather3A_525], %gather3A_526 {add = true} : memref<512xf32, #tpu.memory_space<vmem>>[vector<16xi32>], vector<16xf32>,
      %add3A_527 = arith.constant 3 : i32
      %add3A_528 = arith.addi %mul3A_505, %add3A_527 : i32
      %add3A_529 = vector.broadcast %add3A_528 : i32 to vector<16xi32>
      %add3A_530 = arith.addi %mul3A_233, %add3A_529 : vector<16xi32>
      %gather3A_531 = tpu.vector_load_idx %arg7[%add3A_530] : memref<6304xi32, #tpu.memory_space<vmem>>[vector<16xi32>], vector<16xi32>,
      %gather3A_532 = tpu.vector_load_idx %arg8[%add3A_530] : memref<6304xi32, #tpu.memory_space<vmem>>[vector<16xi32>], vector<16xi32>,
      %gather3A_533 = tpu.vector_load_idx %arg9[%gather3A_531] : memref<128xf32, #tpu.memory_space<vmem>>[vector<16xi32>], vector<16xf32>,
      tpu.vector_store_idx %arg10[%gather3A_532], %gather3A_533 {add = true} : memref<512xf32, #tpu.memory_space<vmem>>[vector<16xi32>], vector<16xf32>,
      %add3A_534 = arith.constant 4 : i32
      %add3A_535 = arith.addi %mul3A_505, %add3A_534 : i32
      %add3A_536 = vector.broadcast %add3A_535 : i32 to vector<16xi32>
      %add3A_537 = arith.addi %mul3A_233, %add3A_536 : vector<16xi32>
      %gather3A_538 = tpu.vector_load_idx %arg7[%add3A_537] : memref<6304xi32, #tpu.memory_space<vmem>>[vector<16xi32>], vector<16xi32>,
      %gather3A_539 = tpu.vector_load_idx %arg8[%add3A_537] : memref<6304xi32, #tpu.memory_space<vmem>>[vector<16xi32>], vector<16xi32>,
      %gather3A_540 = tpu.vector_load_idx %arg9[%gather3A_538] : memref<128xf32, #tpu.memory_space<vmem>>[vector<16xi32>], vector<16xf32>,
      tpu.vector_store_idx %arg10[%gather3A_539], %gather3A_540 {add = true} : memref<512xf32, #tpu.memory_space<vmem>>[vector<16xi32>], vector<16xf32>,
      %add3A_541 = arith.constant 5 : i32
      %add3A_542 = arith.addi %mul3A_505, %add3A_541 : i32
      %add3A_543 = vector.broadcast %add3A_542 : i32 to vector<16xi32>
      %add3A_544 = arith.addi %mul3A_233, %add3A_543 : vector<16xi32>
      %gather3A_545 = tpu.vector_load_idx %arg7[%add3A_544] : memref<6304xi32, #tpu.memory_space<vmem>>[vector<16xi32>], vector<16xi32>,
      %gather3A_546 = tpu.vector_load_idx %arg8[%add3A_544] : memref<6304xi32, #tpu.memory_space<vmem>>[vector<16xi32>], vector<16xi32>,
      %gather3A_547 = tpu.vector_load_idx %arg9[%gather3A_545] : memref<128xf32, #tpu.memory_space<vmem>>[vector<16xi32>], vector<16xf32>,
      tpu.vector_store_idx %arg10[%gather3A_546], %gather3A_547 {add = true} : memref<512xf32, #tpu.memory_space<vmem>>[vector<16xi32>], vector<16xf32>,
      %add3A_548 = arith.constant 6 : i32
      %add3A_549 = arith.addi %mul3A_505, %add3A_548 : i32
      %add3A_550 = vector.broadcast %add3A_549 : i32 to vector<16xi32>
      %add3A_551 = arith.addi %mul3A_233, %add3A_550 : vector<16xi32>
      %gather3A_552 = tpu.vector_load_idx %arg7[%add3A_551] : memref<6304xi32, #tpu.memory_space<vmem>>[vector<16xi32>], vector<16xi32>,
      %gather3A_553 = tpu.vector_load_idx %arg8[%add3A_551] : memref<6304xi32, #tpu.memory_space<vmem>>[vector<16xi32>], vector<16xi32>,
      %gather3A_554 = tpu.vector_load_idx %arg9[%gather3A_552] : memref<128xf32, #tpu.memory_space<vmem>>[vector<16xi32>], vector<16xf32>,
      tpu.vector_store_idx %arg10[%gather3A_553], %gather3A_554 {add = true} : memref<512xf32, #tpu.memory_space<vmem>>[vector<16xi32>], vector<16xf32>,
      %add3A_555 = arith.constant 7 : i32
      %add3A_556 = arith.addi %mul3A_505, %add3A_555 : i32
      %add3A_557 = vector.broadcast %add3A_556 : i32 to vector<16xi32>
      %add3A_558 = arith.addi %mul3A_233, %add3A_557 : vector<16xi32>
      %gather3A_559 = tpu.vector_load_idx %arg7[%add3A_558] : memref<6304xi32, #tpu.memory_space<vmem>>[vector<16xi32>], vector<16xi32>,
      %gather3A_560 = tpu.vector_load_idx %arg8[%add3A_558] : memref<6304xi32, #tpu.memory_space<vmem>>[vector<16xi32>], vector<16xi32>,
      %gather3A_561 = tpu.vector_load_idx %arg9[%gather3A_559] : memref<128xf32, #tpu.memory_space<vmem>>[vector<16xi32>], vector<16xf32>,
      tpu.vector_store_idx %arg10[%gather3A_560], %gather3A_561 {add = true} : memref<512xf32, #tpu.memory_space<vmem>>[vector<16xi32>], vector<16xf32>,
    }
    %while3A_242 = arith.constant 1 : i32
    scf.for %while3A_503 = %while3A_240 to %while3A_236 step %while3A_242  : i32 {
      %mul3A_504 = arith.constant 8 : i32
      %mul3A_505 = arith.muli %while3A_503, %mul3A_504 : i32
      %add3A_506 = arith.constant 0 : i32
      %add3A_507 = arith.addi %mul3A_505, %add3A_506 : i32
      %add3A_508 = vector.broadcast %add3A_507 : i32 to vector<16xi32>
      %add3A_509 = arith.addi %mul3A_233, %add3A_508 : vector<16xi32>
      %gather3A_510 = tpu.vector_load_idx %arg7[%add3A_509] : memref<6304xi32, #tpu.memory_space<vmem>>[vector<16xi32>], vector<16xi32>,
      %gather3A_511 = tpu.vector_load_idx %arg8[%add3A_509] : memref<6304xi32, #tpu.memory_space<vmem>>[vector<16xi32>], vector<16xi32>,
      %gather3A_512 = tpu.vector_load_idx %arg9[%gather3A_510] : memref<128xf32, #tpu.memory_space<vmem>>[vector<16xi32>], vector<16xf32>,
      tpu.vector_store_idx %arg10[%gather3A_511], %gather3A_512 {add = true} : memref<512xf32, #tpu.memory_space<vmem>>[vector<16xi32>], vector<16xf32>,
      %add3A_513 = arith.constant 1 : i32
      %add3A_514 = arith.addi %mul3A_505, %add3A_513 : i32
      %add3A_515 = vector.broadcast %add3A_514 : i32 to vector<16xi32>
      %add3A_516 = arith.addi %mul3A_233, %add3A_515 : vector<16xi32>
      %gather3A_517 = tpu.vector_load_idx %arg7[%add3A_516] : memref<6304xi32, #tpu.memory_space<vmem>>[vector<16xi32>], vector<16xi32>,
      %gather3A_518 = tpu.vector_load_idx %arg8[%add3A_516] : memref<6304xi32, #tpu.memory_space<vmem>>[vector<16xi32>], vector<16xi32>,
      %gather3A_519 = tpu.vector_load_idx %arg9[%gather3A_517] : memref<128xf32, #tpu.memory_space<vmem>>[vector<16xi32>], vector<16xf32>,
      tpu.vector_store_idx %arg10[%gather3A_518], %gather3A_519 {add = true} : memref<512xf32, #tpu.memory_space<vmem>>[vector<16xi32>], vector<16xf32>,
      %add3A_520 = arith.constant 2 : i32
      %add3A_521 = arith.addi %mul3A_505, %add3A_520 : i32
      %add3A_522 = vector.broadcast %add3A_521 : i32 to vector<16xi32>
      %add3A_523 = arith.addi %mul3A_233, %add3A_522 : vector<16xi32>
      %gather3A_524 = tpu.vector_load_idx %arg7[%add3A_523] : memref<6304xi32, #tpu.memory_space<vmem>>[vector<16xi32>], vector<16xi32>,
      %gather3A_525 = tpu.vector_load_idx %arg8[%add3A_523] : memref<6304xi32, #tpu.memory_space<vmem>>[vector<16xi32>], vector<16xi32>,
      %gather3A_526 = tpu.vector_load_idx %arg9[%gather3A_524] : memref<128xf32, #tpu.memory_space<vmem>>[vector<16xi32>], vector<16xf32>,
      tpu.vector_store_idx %arg10[%gather3A_525], %gather3A_526 {add = true} : memref<512xf32, #tpu.memory_space<vmem>>[vector<16xi32>], vector<16xf32>,
      %add3A_527 = arith.constant 3 : i32
      %add3A_528 = arith.addi %mul3A_505, %add3A_527 : i32
      %add3A_529 = vector.broadcast %add3A_528 : i32 to vector<16xi32>
      %add3A_530 = arith.addi %mul3A_233, %add3A_529 : vector<16xi32>
      %gather3A_531 = tpu.vector_load_idx %arg7[%add3A_530] : memref<6304xi32, #tpu.memory_space<vmem>>[vector<16xi32>], vector<16xi32>,
      %gather3A_532 = tpu.vector_load_idx %arg8[%add3A_530] : memref<6304xi32, #tpu.memory_space<vmem>>[vector<16xi32>], vector<16xi32>,
      %gather3A_533 = tpu.vector_load_idx %arg9[%gather3A_531] : memref<128xf32, #tpu.memory_space<vmem>>[vector<16xi32>], vector<16xf32>,
      tpu.vector_store_idx %arg10[%gather3A_532], %gather3A_533 {add = true} : memref<512xf32, #tpu.memory_space<vmem>>[vector<16xi32>], vector<16xf32>,
      %add3A_534 = arith.constant 4 : i32
      %add3A_535 = arith.addi %mul3A_505, %add3A_534 : i32
      %add3A_536 = vector.broadcast %add3A_535 : i32 to vector<16xi32>
      %add3A_537 = arith.addi %mul3A_233, %add3A_536 : vector<16xi32>
      %gather3A_538 = tpu.vector_load_idx %arg7[%add3A_537] : memref<6304xi32, #tpu.memory_space<vmem>>[vector<16xi32>], vector<16xi32>,
      %gather3A_539 = tpu.vector_load_idx %arg8[%add3A_537] : memref<6304xi32, #tpu.memory_space<vmem>>[vector<16xi32>], vector<16xi32>,
      %gather3A_540 = tpu.vector_load_idx %arg9[%gather3A_538] : memref<128xf32, #tpu.memory_space<vmem>>[vector<16xi32>], vector<16xf32>,
      tpu.vector_store_idx %arg10[%gather3A_539], %gather3A_540 {add = true} : memref<512xf32, #tpu.memory_space<vmem>>[vector<16xi32>], vector<16xf32>,
      %add3A_541 = arith.constant 5 : i32
      %add3A_542 = arith.addi %mul3A_505, %add3A_541 : i32
      %add3A_543 = vector.broadcast %add3A_542 : i32 to vector<16xi32>
      %add3A_544 = arith.addi %mul3A_233, %add3A_543 : vector<16xi32>
      %gather3A_545 = tpu.vector_load_idx %arg7[%add3A_544] : memref<6304xi32, #tpu.memory_space<vmem>>[vector<16xi32>], vector<16xi32>,
      %gather3A_546 = tpu.vector_load_idx %arg8[%add3A_544] : memref<6304xi32, #tpu.memory_space<vmem>>[vector<16xi32>], vector<16xi32>,
      %gather3A_547 = tpu.vector_load_idx %arg9[%gather3A_545] : memref<128xf32, #tpu.memory_space<vmem>>[vector<16xi32>], vector<16xf32>,
      tpu.vector_store_idx %arg10[%gather3A_546], %gather3A_547 {add = true} : memref<512xf32, #tpu.memory_space<vmem>>[vector<16xi32>], vector<16xf32>,
      %add3A_548 = arith.constant 6 : i32
      %add3A_549 = arith.addi %mul3A_505, %add3A_548 : i32
      %add3A_550 = vector.broadcast %add3A_549 : i32 to vector<16xi32>
      %add3A_551 = arith.addi %mul3A_233, %add3A_550 : vector<16xi32>
      %gather3A_552 = tpu.vector_load_idx %arg7[%add3A_551] : memref<6304xi32, #tpu.memory_space<vmem>>[vector<16xi32>], vector<16xi32>,
      %gather3A_553 = tpu.vector_load_idx %arg8[%add3A_551] : memref<6304xi32, #tpu.memory_space<vmem>>[vector<16xi32>], vector<16xi32>,
      %gather3A_554 = tpu.vector_load_idx %arg9[%gather3A_552] : memref<128xf32, #tpu.memory_space<vmem>>[vector<16xi32>], vector<16xf32>,
      tpu.vector_store_idx %arg10[%gather3A_553], %gather3A_554 {add = true} : memref<512xf32, #tpu.memory_space<vmem>>[vector<16xi32>], vector<16xf32>,
      %add3A_555 = arith.constant 7 : i32
      %add3A_556 = arith.addi %mul3A_505, %add3A_555 : i32
      %add3A_557 = vector.broadcast %add3A_556 : i32 to vector<16xi32>
      %add3A_558 = arith.addi %mul3A_233, %add3A_557 : vector<16xi32>
      %gather3A_559 = tpu.vector_load_idx %arg7[%add3A_558] : memref<6304xi32, #tpu.memory_space<vmem>>[vector<16xi32>], vector<16xi32>,
      %gather3A_560 = tpu.vector_load_idx %arg8[%add3A_558] : memref<6304xi32, #tpu.memory_space<vmem>>[vector<16xi32>], vector<16xi32>,
      %gather3A_561 = tpu.vector_load_idx %arg9[%gather3A_559] : memref<128xf32, #tpu.memory_space<vmem>>[vector<16xi32>], vector<16xf32>,
      tpu.vector_store_idx %arg10[%gather3A_560], %gather3A_561 {add = true} : memref<512xf32, #tpu.memory_space<vmem>>[vector<16xi32>], vector<16xf32>,
    }
    %mul3A_243 = arith.constant 8 : i32
    %mul3A_244 = arith.muli %select_n3A_232, %mul3A_243 : i32
    %add3A_245 = arith.constant 0 : i32
    %add3A_246 = arith.addi %mul3A_244, %add3A_245 : i32
    %lt3A = arith.cmpi slt, %add3A_246, %select_n3A : i32
    %broadcast_in_dim3A_247 = vector.broadcast %lt3A : i1 to vector<16xi1>
    %add3A_248 = vector.broadcast %add3A_246 : i32 to vector<16xi32>
    %add3A_249 = arith.addi %mul3A_233, %add3A_248 : vector<16xi32>
    %gather3A = tpu.vector_load_idx %arg7[%add3A_249] : memref<6304xi32, #tpu.memory_space<vmem>>[vector<16xi32>], vector<16xi32>,
    %and3A = arith.constant 127 : i32
    %and3A_250 = vector.broadcast %and3A : i32 to vector<16xi32>
    %and3A_251 = arith.andi %gather3A, %and3A_250 : vector<16xi32>
    %gather3A_252 = tpu.vector_load_idx %arg8[%add3A_249] : memref<6304xi32, #tpu.memory_space<vmem>>[vector<16xi32>], vector<16xi32>,
    %and3A_253 = arith.constant 511 : i32
    %and3A_254 = vector.broadcast %and3A_253 : i32 to vector<16xi32>
    %and3A_255 = arith.andi %gather3A_252, %and3A_254 : vector<16xi32>
    %gather3A_256 = tpu.vector_load_idx %arg9[%and3A_251] : memref<128xf32, #tpu.memory_space<vmem>>[vector<16xi32>], vector<16xf32>,
    tpu.vector_store_idx %arg10[%and3A_255], %gather3A_256 masked %broadcast_in_dim3A_247 {add = true} : memref<512xf32, #tpu.memory_space<vmem>>[vector<16xi32>], vector<16xf32>, vector<16xi1>
    %add3A_257 = arith.constant 1 : i32
    %add3A_258 = arith.addi %mul3A_244, %add3A_257 : i32
    %lt3A_259 = arith.cmpi slt, %add3A_258, %select_n3A : i32
    %broadcast_in_dim3A_260 = vector.broadcast %lt3A_259 : i1 to vector<16xi1>
    %add3A_261 = vector.broadcast %add3A_258 : i32 to vector<16xi32>
    %add3A_262 = arith.addi %mul3A_233, %add3A_261 : vector<16xi32>
    %gather3A_263 = tpu.vector_load_idx %arg7[%add3A_262] : memref<6304xi32, #tpu.memory_space<vmem>>[vector<16xi32>], vector<16xi32>,
    %and3A_264 = arith.constant 127 : i32
    %and3A_265 = vector.broadcast %and3A_264 : i32 to vector<16xi32>
    %and3A_266 = arith.andi %gather3A_263, %and3A_265 : vector<16xi32>
    %gather3A_267 = tpu.vector_load_idx %arg8[%add3A_262] : memref<6304xi32, #tpu.memory_space<vmem>>[vector<16xi32>], vector<16xi32>,
    %and3A_268 = arith.constant 511 : i32
    %and3A_269 = vector.broadcast %and3A_268 : i32 to vector<16xi32>
    %and3A_270 = arith.andi %gather3A_267, %and3A_269 : vector<16xi32>
    %gather3A_271 = tpu.vector_load_idx %arg9[%and3A_266] : memref<128xf32, #tpu.memory_space<vmem>>[vector<16xi32>], vector<16xf32>,
    tpu.vector_store_idx %arg10[%and3A_270], %gather3A_271 masked %broadcast_in_dim3A_260 {add = true} : memref<512xf32, #tpu.memory_space<vmem>>[vector<16xi32>], vector<16xf32>, vector<16xi1>
    %add3A_272 = arith.constant 2 : i32
    %add3A_273 = arith.addi %mul3A_244, %add3A_272 : i32
    %lt3A_274 = arith.cmpi slt, %add3A_273, %select_n3A : i32
    %broadcast_in_dim3A_275 = vector.broadcast %lt3A_274 : i1 to vector<16xi1>
    %add3A_276 = vector.broadcast %add3A_273 : i32 to vector<16xi32>
    %add3A_277 = arith.addi %mul3A_233, %add3A_276 : vector<16xi32>
    %gather3A_278 = tpu.vector_load_idx %arg7[%add3A_277] : memref<6304xi32, #tpu.memory_space<vmem>>[vector<16xi32>], vector<16xi32>,
    %and3A_279 = arith.constant 127 : i32
    %and3A_280 = vector.broadcast %and3A_279 : i32 to vector<16xi32>
    %and3A_281 = arith.andi %gather3A_278, %and3A_280 : vector<16xi32>
    %gather3A_282 = tpu.vector_load_idx %arg8[%add3A_277] : memref<6304xi32, #tpu.memory_space<vmem>>[vector<16xi32>], vector<16xi32>,
    %and3A_283 = arith.constant 511 : i32
    %and3A_284 = vector.broadcast %and3A_283 : i32 to vector<16xi32>
    %and3A_285 = arith.andi %gather3A_282, %and3A_284 : vector<16xi32>
    %gather3A_286 = tpu.vector_load_idx %arg9[%and3A_281] : memref<128xf32, #tpu.memory_space<vmem>>[vector<16xi32>], vector<16xf32>,
    tpu.vector_store_idx %arg10[%and3A_285], %gather3A_286 masked %broadcast_in_dim3A_275 {add = true} : memref<512xf32, #tpu.memory_space<vmem>>[vector<16xi32>], vector<16xf32>, vector<16xi1>
    %get3A = arith.constant 0 : index
    %get3A_287 = tpu.vector_load %arg10[%get3A] {strides = array<i32>} : memref<512xf32, #tpu.memory_space<vmem>>, vector<16xf32>,
    %sub3A = arith.subf %broadcast_in_dim3A_6, %get3A_287 : vector<16xf32>
    %swap3A_288 = arith.constant 0 : index
    %swap3A_289 = tpu.vector_load %arg10[%swap3A_288] {strides = array<i32>} : memref<512xf32, #tpu.memory_space<vmem>>, vector<16xf32>,
    tpu.vector_store %arg10[%swap3A_288], %sub3A {strides = array<i32>} : memref<512xf32, #tpu.memory_space<vmem>>, vector<16xf32>,
    %get3A_290 = arith.constant 16 : index
    %get3A_291 = tpu.vector_load %arg10[%get3A_290] {strides = array<i32>} : memref<512xf32, #tpu.memory_space<vmem>>, vector<16xf32>,
    %sub3A_292 = arith.subf %broadcast_in_dim3A_6, %get3A_291 : vector<16xf32>
    %swap3A_293 = arith.constant 16 : index
    %swap3A_294 = tpu.vector_load %arg10[%swap3A_293] {strides = array<i32>} : memref<512xf32, #tpu.memory_space<vmem>>, vector<16xf32>,
    tpu.vector_store %arg10[%swap3A_293], %sub3A_292 {strides = array<i32>} : memref<512xf32, #tpu.memory_space<vmem>>, vector<16xf32>,
    %get3A_295 = arith.constant 32 : index
    %get3A_296 = tpu.vector_load %arg10[%get3A_295] {strides = array<i32>} : memref<512xf32, #tpu.memory_space<vmem>>, vector<16xf32>,
    %sub3A_297 = arith.subf %broadcast_in_dim3A_6, %get3A_296 : vector<16xf32>
    %swap3A_298 = arith.constant 32 : index
    %swap3A_299 = tpu.vector_load %arg10[%swap3A_298] {strides = array<i32>} : memref<512xf32, #tpu.memory_space<vmem>>, vector<16xf32>,
    tpu.vector_store %arg10[%swap3A_298], %sub3A_297 {strides = array<i32>} : memref<512xf32, #tpu.memory_space<vmem>>, vector<16xf32>,
    %get3A_300 = arith.constant 48 : index
    %get3A_301 = tpu.vector_load %arg10[%get3A_300] {strides = array<i32>} : memref<512xf32, #tpu.memory_space<vmem>>, vector<16xf32>,
    %sub3A_302 = arith.subf %broadcast_in_dim3A_6, %get3A_301 : vector<16xf32>
    %swap3A_303 = arith.constant 48 : index
    %swap3A_304 = tpu.vector_load %arg10[%swap3A_303] {strides = array<i32>} : memref<512xf32, #tpu.memory_space<vmem>>, vector<16xf32>,
    tpu.vector_store %arg10[%swap3A_303], %sub3A_302 {strides = array<i32>} : memref<512xf32, #tpu.memory_space<vmem>>, vector<16xf32>,
    %get3A_305 = arith.constant 64 : index
    %get3A_306 = tpu.vector_load %arg10[%get3A_305] {strides = array<i32>} : memref<512xf32, #tpu.memory_space<vmem>>, vector<16xf32>,
    %sub3A_307 = arith.subf %broadcast_in_dim3A_6, %get3A_306 : vector<16xf32>
    %swap3A_308 = arith.constant 64 : index
    %swap3A_309 = tpu.vector_load %arg10[%swap3A_308] {strides = array<i32>} : memref<512xf32, #tpu.memory_space<vmem>>, vector<16xf32>,
    tpu.vector_store %arg10[%swap3A_308], %sub3A_307 {strides = array<i32>} : memref<512xf32, #tpu.memory_space<vmem>>, vector<16xf32>,
    %get3A_310 = arith.constant 80 : index
    %get3A_311 = tpu.vector_load %arg10[%get3A_310] {strides = array<i32>} : memref<512xf32, #tpu.memory_space<vmem>>, vector<16xf32>,
    %sub3A_312 = arith.subf %broadcast_in_dim3A_6, %get3A_311 : vector<16xf32>
    %swap3A_313 = arith.constant 80 : index
    %swap3A_314 = tpu.vector_load %arg10[%swap3A_313] {strides = array<i32>} : memref<512xf32, #tpu.memory_space<vmem>>, vector<16xf32>,
    tpu.vector_store %arg10[%swap3A_313], %sub3A_312 {strides = array<i32>} : memref<512xf32, #tpu.memory_space<vmem>>, vector<16xf32>,
    %get3A_315 = arith.constant 96 : index
    %get3A_316 = tpu.vector_load %arg10[%get3A_315] {strides = array<i32>} : memref<512xf32, #tpu.memory_space<vmem>>, vector<16xf32>,
    %sub3A_317 = arith.subf %broadcast_in_dim3A_6, %get3A_316 : vector<16xf32>
    %swap3A_318 = arith.constant 96 : index
    %swap3A_319 = tpu.vector_load %arg10[%swap3A_318] {strides = array<i32>} : memref<512xf32, #tpu.memory_space<vmem>>, vector<16xf32>,
    tpu.vector_store %arg10[%swap3A_318], %sub3A_317 {strides = array<i32>} : memref<512xf32, #tpu.memory_space<vmem>>, vector<16xf32>,
    %get3A_320 = arith.constant 112 : index
    %get3A_321 = tpu.vector_load %arg10[%get3A_320] {strides = array<i32>} : memref<512xf32, #tpu.memory_space<vmem>>, vector<16xf32>,
    %sub3A_322 = arith.subf %broadcast_in_dim3A_6, %get3A_321 : vector<16xf32>
    %swap3A_323 = arith.constant 112 : index
    %swap3A_324 = tpu.vector_load %arg10[%swap3A_323] {strides = array<i32>} : memref<512xf32, #tpu.memory_space<vmem>>, vector<16xf32>,
    tpu.vector_store %arg10[%swap3A_323], %sub3A_322 {strides = array<i32>} : memref<512xf32, #tpu.memory_space<vmem>>, vector<16xf32>,
    %get3A_325 = arith.constant 128 : index
    %get3A_326 = tpu.vector_load %arg10[%get3A_325] {strides = array<i32>} : memref<512xf32, #tpu.memory_space<vmem>>, vector<16xf32>,
    %sub3A_327 = arith.subf %broadcast_in_dim3A_6, %get3A_326 : vector<16xf32>
    %swap3A_328 = arith.constant 128 : index
    %swap3A_329 = tpu.vector_load %arg10[%swap3A_328] {strides = array<i32>} : memref<512xf32, #tpu.memory_space<vmem>>, vector<16xf32>,
    tpu.vector_store %arg10[%swap3A_328], %sub3A_327 {strides = array<i32>} : memref<512xf32, #tpu.memory_space<vmem>>, vector<16xf32>,
    %get3A_330 = arith.constant 144 : index
    %get3A_331 = tpu.vector_load %arg10[%get3A_330] {strides = array<i32>} : memref<512xf32, #tpu.memory_space<vmem>>, vector<16xf32>,
    %sub3A_332 = arith.subf %broadcast_in_dim3A_6, %get3A_331 : vector<16xf32>
    %swap3A_333 = arith.constant 144 : index
    %swap3A_334 = tpu.vector_load %arg10[%swap3A_333] {strides = array<i32>} : memref<512xf32, #tpu.memory_space<vmem>>, vector<16xf32>,
    tpu.vector_store %arg10[%swap3A_333], %sub3A_332 {strides = array<i32>} : memref<512xf32, #tpu.memory_space<vmem>>, vector<16xf32>,
    %get3A_335 = arith.constant 160 : index
    %get3A_336 = tpu.vector_load %arg10[%get3A_335] {strides = array<i32>} : memref<512xf32, #tpu.memory_space<vmem>>, vector<16xf32>,
    %sub3A_337 = arith.subf %broadcast_in_dim3A_6, %get3A_336 : vector<16xf32>
    %swap3A_338 = arith.constant 160 : index
    %swap3A_339 = tpu.vector_load %arg10[%swap3A_338] {strides = array<i32>} : memref<512xf32, #tpu.memory_space<vmem>>, vector<16xf32>,
    tpu.vector_store %arg10[%swap3A_338], %sub3A_337 {strides = array<i32>} : memref<512xf32, #tpu.memory_space<vmem>>, vector<16xf32>,
    %get3A_340 = arith.constant 176 : index
    %get3A_341 = tpu.vector_load %arg10[%get3A_340] {strides = array<i32>} : memref<512xf32, #tpu.memory_space<vmem>>, vector<16xf32>,
    %sub3A_342 = arith.subf %broadcast_in_dim3A_6, %get3A_341 : vector<16xf32>
    %swap3A_343 = arith.constant 176 : index
    %swap3A_344 = tpu.vector_load %arg10[%swap3A_343] {strides = array<i32>} : memref<512xf32, #tpu.memory_space<vmem>>, vector<16xf32>,
    tpu.vector_store %arg10[%swap3A_343], %sub3A_342 {strides = array<i32>} : memref<512xf32, #tpu.memory_space<vmem>>, vector<16xf32>,
    %get3A_345 = arith.constant 192 : index
    %get3A_346 = tpu.vector_load %arg10[%get3A_345] {strides = array<i32>} : memref<512xf32, #tpu.memory_space<vmem>>, vector<16xf32>,
    %sub3A_347 = arith.subf %broadcast_in_dim3A_6, %get3A_346 : vector<16xf32>
    %swap3A_348 = arith.constant 192 : index
    %swap3A_349 = tpu.vector_load %arg10[%swap3A_348] {strides = array<i32>} : memref<512xf32, #tpu.memory_space<vmem>>, vector<16xf32>,
    tpu.vector_store %arg10[%swap3A_348], %sub3A_347 {strides = array<i32>} : memref<512xf32, #tpu.memory_space<vmem>>, vector<16xf32>,
    %get3A_350 = arith.constant 208 : index
    %get3A_351 = tpu.vector_load %arg10[%get3A_350] {strides = array<i32>} : memref<512xf32, #tpu.memory_space<vmem>>, vector<16xf32>,
    %sub3A_352 = arith.subf %broadcast_in_dim3A_6, %get3A_351 : vector<16xf32>
    %swap3A_353 = arith.constant 208 : index
    %swap3A_354 = tpu.vector_load %arg10[%swap3A_353] {strides = array<i32>} : memref<512xf32, #tpu.memory_space<vmem>>, vector<16xf32>,
    tpu.vector_store %arg10[%swap3A_353], %sub3A_352 {strides = array<i32>} : memref<512xf32, #tpu.memory_space<vmem>>, vector<16xf32>,
    %get3A_355 = arith.constant 224 : index
    %get3A_356 = tpu.vector_load %arg10[%get3A_355] {strides = array<i32>} : memref<512xf32, #tpu.memory_space<vmem>>, vector<16xf32>,
    %sub3A_357 = arith.subf %broadcast_in_dim3A_6, %get3A_356 : vector<16xf32>
    %swap3A_358 = arith.constant 224 : index
    %swap3A_359 = tpu.vector_load %arg10[%swap3A_358] {strides = array<i32>} : memref<512xf32, #tpu.memory_space<vmem>>, vector<16xf32>,
    tpu.vector_store %arg10[%swap3A_358], %sub3A_357 {strides = array<i32>} : memref<512xf32, #tpu.memory_space<vmem>>, vector<16xf32>,
    %get3A_360 = arith.constant 240 : index
    %get3A_361 = tpu.vector_load %arg10[%get3A_360] {strides = array<i32>} : memref<512xf32, #tpu.memory_space<vmem>>, vector<16xf32>,
    %sub3A_362 = arith.subf %broadcast_in_dim3A_6, %get3A_361 : vector<16xf32>
    %swap3A_363 = arith.constant 240 : index
    %swap3A_364 = tpu.vector_load %arg10[%swap3A_363] {strides = array<i32>} : memref<512xf32, #tpu.memory_space<vmem>>, vector<16xf32>,
    tpu.vector_store %arg10[%swap3A_363], %sub3A_362 {strides = array<i32>} : memref<512xf32, #tpu.memory_space<vmem>>, vector<16xf32>,
    %get3A_365 = arith.constant 256 : index
    %get3A_366 = tpu.vector_load %arg10[%get3A_365] {strides = array<i32>} : memref<512xf32, #tpu.memory_space<vmem>>, vector<16xf32>,
    %sub3A_367 = arith.subf %broadcast_in_dim3A_6, %get3A_366 : vector<16xf32>
    %swap3A_368 = arith.constant 256 : index
    %swap3A_369 = tpu.vector_load %arg10[%swap3A_368] {strides = array<i32>} : memref<512xf32, #tpu.memory_space<vmem>>, vector<16xf32>,
    tpu.vector_store %arg10[%swap3A_368], %sub3A_367 {strides = array<i32>} : memref<512xf32, #tpu.memory_space<vmem>>, vector<16xf32>,
    %get3A_370 = arith.constant 272 : index
    %get3A_371 = tpu.vector_load %arg10[%get3A_370] {strides = array<i32>} : memref<512xf32, #tpu.memory_space<vmem>>, vector<16xf32>,
    %sub3A_372 = arith.subf %broadcast_in_dim3A_6, %get3A_371 : vector<16xf32>
    %swap3A_373 = arith.constant 272 : index
    %swap3A_374 = tpu.vector_load %arg10[%swap3A_373] {strides = array<i32>} : memref<512xf32, #tpu.memory_space<vmem>>, vector<16xf32>,
    tpu.vector_store %arg10[%swap3A_373], %sub3A_372 {strides = array<i32>} : memref<512xf32, #tpu.memory_space<vmem>>, vector<16xf32>,
    %get3A_375 = arith.constant 288 : index
    %get3A_376 = tpu.vector_load %arg10[%get3A_375] {strides = array<i32>} : memref<512xf32, #tpu.memory_space<vmem>>, vector<16xf32>,
    %sub3A_377 = arith.subf %broadcast_in_dim3A_6, %get3A_376 : vector<16xf32>
    %swap3A_378 = arith.constant 288 : index
    %swap3A_379 = tpu.vector_load %arg10[%swap3A_378] {strides = array<i32>} : memref<512xf32, #tpu.memory_space<vmem>>, vector<16xf32>,
    tpu.vector_store %arg10[%swap3A_378], %sub3A_377 {strides = array<i32>} : memref<512xf32, #tpu.memory_space<vmem>>, vector<16xf32>,
    %get3A_380 = arith.constant 304 : index
    %get3A_381 = tpu.vector_load %arg10[%get3A_380] {strides = array<i32>} : memref<512xf32, #tpu.memory_space<vmem>>, vector<16xf32>,
    %sub3A_382 = arith.subf %broadcast_in_dim3A_6, %get3A_381 : vector<16xf32>
    %swap3A_383 = arith.constant 304 : index
    %swap3A_384 = tpu.vector_load %arg10[%swap3A_383] {strides = array<i32>} : memref<512xf32, #tpu.memory_space<vmem>>, vector<16xf32>,
    tpu.vector_store %arg10[%swap3A_383], %sub3A_382 {strides = array<i32>} : memref<512xf32, #tpu.memory_space<vmem>>, vector<16xf32>,
    %get3A_385 = arith.constant 320 : index
    %get3A_386 = tpu.vector_load %arg10[%get3A_385] {strides = array<i32>} : memref<512xf32, #tpu.memory_space<vmem>>, vector<16xf32>,
    %sub3A_387 = arith.subf %broadcast_in_dim3A_6, %get3A_386 : vector<16xf32>
    %swap3A_388 = arith.constant 320 : index
    %swap3A_389 = tpu.vector_load %arg10[%swap3A_388] {strides = array<i32>} : memref<512xf32, #tpu.memory_space<vmem>>, vector<16xf32>,
    tpu.vector_store %arg10[%swap3A_388], %sub3A_387 {strides = array<i32>} : memref<512xf32, #tpu.memory_space<vmem>>, vector<16xf32>,
    %get3A_390 = arith.constant 336 : index
    %get3A_391 = tpu.vector_load %arg10[%get3A_390] {strides = array<i32>} : memref<512xf32, #tpu.memory_space<vmem>>, vector<16xf32>,
    %sub3A_392 = arith.subf %broadcast_in_dim3A_6, %get3A_391 : vector<16xf32>
    %swap3A_393 = arith.constant 336 : index
    %swap3A_394 = tpu.vector_load %arg10[%swap3A_393] {strides = array<i32>} : memref<512xf32, #tpu.memory_space<vmem>>, vector<16xf32>,
    tpu.vector_store %arg10[%swap3A_393], %sub3A_392 {strides = array<i32>} : memref<512xf32, #tpu.memory_space<vmem>>, vector<16xf32>,
    %get3A_395 = arith.constant 352 : index
    %get3A_396 = tpu.vector_load %arg10[%get3A_395] {strides = array<i32>} : memref<512xf32, #tpu.memory_space<vmem>>, vector<16xf32>,
    %sub3A_397 = arith.subf %broadcast_in_dim3A_6, %get3A_396 : vector<16xf32>
    %swap3A_398 = arith.constant 352 : index
    %swap3A_399 = tpu.vector_load %arg10[%swap3A_398] {strides = array<i32>} : memref<512xf32, #tpu.memory_space<vmem>>, vector<16xf32>,
    tpu.vector_store %arg10[%swap3A_398], %sub3A_397 {strides = array<i32>} : memref<512xf32, #tpu.memory_space<vmem>>, vector<16xf32>,
    %get3A_400 = arith.constant 368 : index
    %get3A_401 = tpu.vector_load %arg10[%get3A_400] {strides = array<i32>} : memref<512xf32, #tpu.memory_space<vmem>>, vector<16xf32>,
    %sub3A_402 = arith.subf %broadcast_in_dim3A_6, %get3A_401 : vector<16xf32>
    %swap3A_403 = arith.constant 368 : index
    %swap3A_404 = tpu.vector_load %arg10[%swap3A_403] {strides = array<i32>} : memref<512xf32, #tpu.memory_space<vmem>>, vector<16xf32>,
    tpu.vector_store %arg10[%swap3A_403], %sub3A_402 {strides = array<i32>} : memref<512xf32, #tpu.memory_space<vmem>>, vector<16xf32>,
    %get3A_405 = arith.constant 384 : index
    %get3A_406 = tpu.vector_load %arg10[%get3A_405] {strides = array<i32>} : memref<512xf32, #tpu.memory_space<vmem>>, vector<16xf32>,
    %sub3A_407 = arith.subf %broadcast_in_dim3A_6, %get3A_406 : vector<16xf32>
    %swap3A_408 = arith.constant 384 : index
    %swap3A_409 = tpu.vector_load %arg10[%swap3A_408] {strides = array<i32>} : memref<512xf32, #tpu.memory_space<vmem>>, vector<16xf32>,
    tpu.vector_store %arg10[%swap3A_408], %sub3A_407 {strides = array<i32>} : memref<512xf32, #tpu.memory_space<vmem>>, vector<16xf32>,
    %get3A_410 = arith.constant 400 : index
    %get3A_411 = tpu.vector_load %arg10[%get3A_410] {strides = array<i32>} : memref<512xf32, #tpu.memory_space<vmem>>, vector<16xf32>,
    %sub3A_412 = arith.subf %broadcast_in_dim3A_6, %get3A_411 : vector<16xf32>
    %swap3A_413 = arith.constant 400 : index
    %swap3A_414 = tpu.vector_load %arg10[%swap3A_413] {strides = array<i32>} : memref<512xf32, #tpu.memory_space<vmem>>, vector<16xf32>,
    tpu.vector_store %arg10[%swap3A_413], %sub3A_412 {strides = array<i32>} : memref<512xf32, #tpu.memory_space<vmem>>, vector<16xf32>,
    %get3A_415 = arith.constant 416 : index
    %get3A_416 = tpu.vector_load %arg10[%get3A_415] {strides = array<i32>} : memref<512xf32, #tpu.memory_space<vmem>>, vector<16xf32>,
    %sub3A_417 = arith.subf %broadcast_in_dim3A_6, %get3A_416 : vector<16xf32>
    %swap3A_418 = arith.constant 416 : index
    %swap3A_419 = tpu.vector_load %arg10[%swap3A_418] {strides = array<i32>} : memref<512xf32, #tpu.memory_space<vmem>>, vector<16xf32>,
    tpu.vector_store %arg10[%swap3A_418], %sub3A_417 {strides = array<i32>} : memref<512xf32, #tpu.memory_space<vmem>>, vector<16xf32>,
    %get3A_420 = arith.constant 432 : index
    %get3A_421 = tpu.vector_load %arg10[%get3A_420] {strides = array<i32>} : memref<512xf32, #tpu.memory_space<vmem>>, vector<16xf32>,
    %sub3A_422 = arith.subf %broadcast_in_dim3A_6, %get3A_421 : vector<16xf32>
    %swap3A_423 = arith.constant 432 : index
    %swap3A_424 = tpu.vector_load %arg10[%swap3A_423] {strides = array<i32>} : memref<512xf32, #tpu.memory_space<vmem>>, vector<16xf32>,
    tpu.vector_store %arg10[%swap3A_423], %sub3A_422 {strides = array<i32>} : memref<512xf32, #tpu.memory_space<vmem>>, vector<16xf32>,
    %get3A_425 = arith.constant 448 : index
    %get3A_426 = tpu.vector_load %arg10[%get3A_425] {strides = array<i32>} : memref<512xf32, #tpu.memory_space<vmem>>, vector<16xf32>,
    %sub3A_427 = arith.subf %broadcast_in_dim3A_6, %get3A_426 : vector<16xf32>
    %swap3A_428 = arith.constant 448 : index
    %swap3A_429 = tpu.vector_load %arg10[%swap3A_428] {strides = array<i32>} : memref<512xf32, #tpu.memory_space<vmem>>, vector<16xf32>,
    tpu.vector_store %arg10[%swap3A_428], %sub3A_427 {strides = array<i32>} : memref<512xf32, #tpu.memory_space<vmem>>, vector<16xf32>,
    %get3A_430 = arith.constant 464 : index
    %get3A_431 = tpu.vector_load %arg10[%get3A_430] {strides = array<i32>} : memref<512xf32, #tpu.memory_space<vmem>>, vector<16xf32>,
    %sub3A_432 = arith.subf %broadcast_in_dim3A_6, %get3A_431 : vector<16xf32>
    %swap3A_433 = arith.constant 464 : index
    %swap3A_434 = tpu.vector_load %arg10[%swap3A_433] {strides = array<i32>} : memref<512xf32, #tpu.memory_space<vmem>>, vector<16xf32>,
    tpu.vector_store %arg10[%swap3A_433], %sub3A_432 {strides = array<i32>} : memref<512xf32, #tpu.memory_space<vmem>>, vector<16xf32>,
    %get3A_435 = arith.constant 480 : index
    %get3A_436 = tpu.vector_load %arg10[%get3A_435] {strides = array<i32>} : memref<512xf32, #tpu.memory_space<vmem>>, vector<16xf32>,
    %sub3A_437 = arith.subf %broadcast_in_dim3A_6, %get3A_436 : vector<16xf32>
    %swap3A_438 = arith.constant 480 : index
    %swap3A_439 = tpu.vector_load %arg10[%swap3A_438] {strides = array<i32>} : memref<512xf32, #tpu.memory_space<vmem>>, vector<16xf32>,
    tpu.vector_store %arg10[%swap3A_438], %sub3A_437 {strides = array<i32>} : memref<512xf32, #tpu.memory_space<vmem>>, vector<16xf32>,
    %get3A_440 = arith.constant 496 : index
    %get3A_441 = tpu.vector_load %arg10[%get3A_440] {strides = array<i32>} : memref<512xf32, #tpu.memory_space<vmem>>, vector<16xf32>,
    %sub3A_442 = arith.subf %broadcast_in_dim3A_6, %get3A_441 : vector<16xf32>
    %swap3A_443 = arith.constant 496 : index
    %swap3A_444 = tpu.vector_load %arg10[%swap3A_443] {strides = array<i32>} : memref<512xf32, #tpu.memory_space<vmem>>, vector<16xf32>,
    tpu.vector_store %arg10[%swap3A_443], %sub3A_442 {strides = array<i32>} : memref<512xf32, #tpu.memory_space<vmem>>, vector<16xf32>,
    %mul3A_445 = arith.constant 16 : i32
    %mul3A_446 = arith.muli %select_n3A, %mul3A_445 : i32
    %get3A_447 = arith.constant 0 : index
    %get3A_448 = tpu.vector_load %arg8[%get3A_447] {strides = array<i32>} : memref<6304xi32, #tpu.memory_space<vmem>>, vector<16xi32>,
    %reduce_min3A = arith.constant true
    %reduce_min3A_449 = vector.broadcast %reduce_min3A : i1 to vector<16xi1>
    %reduce_min3A_450 = arith.constant -2147483648 : i32
    %reduce_min3A_451 = vector.broadcast %reduce_min3A_450 : i32 to vector<16xi32>
    %reduce_min3A_452 = arith.xori %get3A_448, %reduce_min3A_451 : vector<16xi32>
    %reduce_min3A_453 = tpu.scan <min>, %reduce_min3A_452 masked %reduce_min3A_449 : vector<16xi32>, vector<16xi1> -> vector<16xi32>
    %reduce_min3A_454 = arith.xori %reduce_min3A_453, %reduce_min3A_451 : vector<16xi32>
    %reduce_min3A_455 = vector.extract %reduce_min3A_454[15] : i32 from vector<16xi32>
    %sub3A_456 = arith.constant 16 : i32
    %sub3A_457 = arith.subi %mul3A_446, %sub3A_456 : i32
    %add3A_458 = vector.broadcast %sub3A_457 : i32 to vector<16xi32>
    %add3A_459 = arith.addi %add3A_458, %iota3A : vector<16xi32>
    %gather3A_460 = tpu.vector_load_idx %arg8[%add3A_459] : memref<6304xi32, #tpu.memory_space<vmem>>[vector<16xi32>], vector<16xi32>,
    %reduce_max3A = arith.constant true
    %reduce_max3A_461 = vector.broadcast %reduce_max3A : i1 to vector<16xi1>
    %reduce_max3A_462 = arith.constant -2147483648 : i32
    %reduce_max3A_463 = vector.broadcast %reduce_max3A_462 : i32 to vector<16xi32>
    %reduce_max3A_464 = arith.xori %gather3A_460, %reduce_max3A_463 : vector<16xi32>
    %reduce_max3A_465 = tpu.scan <max>, %reduce_max3A_464 masked %reduce_max3A_461 : vector<16xi32>, vector<16xi1> -> vector<16xi32>
    %reduce_max3A_466 = arith.xori %reduce_max3A_465, %reduce_max3A_463 : vector<16xi32>
    %reduce_max3A_467 = vector.extract %reduce_max3A_466[15] : i32 from vector<16xi32>
    %ge3A = arith.constant 0 : i32
    %ge3A_468 = arith.cmpi sge, %reduce_max3A_467, %ge3A : i32
    %lt3A_469 = arith.constant 128 : i32
    %lt3A_470 = arith.cmpi slt, %reduce_min3A_455, %lt3A_469 : i32
    %and3A_471 = arith.andi %ge3A_468, %lt3A_470 : i1
    %convert_element_type3A_472 = arith.extui %and3A_471 : i1 to i32
    %cond3A_473 = arith.constant 0 : i32
    %cond3A_474 = arith.cmpi ne, %convert_element_type3A_472, %cond3A_473 : i32
    scf.if %cond3A_474 {
      "tpu.region"() ({
        %run_scoped3A = tpu.sem_alloc : memref<!tpu.dma_semaphore, #tpu.memory_space<semaphore_mem>>
        %dma_start3A = arith.constant 0 : i32
        %dma_start3A_503 = tpu.memref_slice %arg10[%dma_start3A] : memref<512xf32, #tpu.memory_space<vmem>> -> memref<128xf32, #tpu.memory_space<vmem>>
        %dma_start3A_504 = arith.constant 0 : i32
        %dma_start3A_505 = tpu.memref_slice %arg15[%dma_start3A_504] : memref<512xf32, #tpu.memory_space<vmem_shared>> -> memref<512xf32, #tpu.memory_space<vmem_shared>>
        tpu.enqueue_indirect_dma source(%dma_start3A_503 : memref<128xf32, #tpu.memory_space<vmem>>) target(%dma_start3A_505 : memref<512xf32, #tpu.memory_space<vmem_shared>>) offsets(%arg11 : memref<128xi32, #tpu.memory_space<vmem>>) semaphore(%run_scoped3A : memref<!tpu.dma_semaphore, #tpu.memory_space<semaphore_mem>>) {add = true}
        %dma_wait3A = arith.constant 0 : i32
        %dma_wait3A_506 = tpu.memref_slice %arg10[%dma_wait3A] : memref<512xf32, #tpu.memory_space<vmem>> -> memref<128xf32, #tpu.memory_space<vmem>>
        %dma_wait3A_507 = arith.constant 0 : i32
        %dma_wait3A_508 = tpu.memref_slice %arg15[%dma_wait3A_507] : memref<512xf32, #tpu.memory_space<vmem_shared>> -> memref<512xf32, #tpu.memory_space<vmem_shared>>
        tpu.wait_indirect_dma semaphore(%run_scoped3A : memref<!tpu.dma_semaphore, #tpu.memory_space<semaphore_mem>>) src(%dma_wait3A_506 : memref<128xf32, #tpu.memory_space<vmem>>) dst(%dma_wait3A_508 : memref<512xf32, #tpu.memory_space<vmem_shared>>)
        tpu.yield
      }) : () -> ()
    } else {
    }
    %ge3A_475 = arith.constant 128 : i32
    %ge3A_476 = arith.cmpi sge, %reduce_max3A_467, %ge3A_475 : i32
    %lt3A_477 = arith.constant 256 : i32
    %lt3A_478 = arith.cmpi slt, %reduce_min3A_455, %lt3A_477 : i32
    %and3A_479 = arith.andi %ge3A_476, %lt3A_478 : i1
    %convert_element_type3A_480 = arith.extui %and3A_479 : i1 to i32
    %cond3A_481 = arith.constant 0 : i32
    %cond3A_482 = arith.cmpi ne, %convert_element_type3A_480, %cond3A_481 : i32
    scf.if %cond3A_482 {
      "tpu.region"() ({
        %run_scoped3A = tpu.sem_alloc : memref<!tpu.dma_semaphore, #tpu.memory_space<semaphore_mem>>
        %dma_start3A = arith.constant 128 : i32
        %dma_start3A_503 = tpu.memref_slice %arg10[%dma_start3A] : memref<512xf32, #tpu.memory_space<vmem>> -> memref<128xf32, #tpu.memory_space<vmem>>
        %dma_start3A_504 = arith.constant 0 : i32
        %dma_start3A_505 = tpu.memref_slice %arg15[%dma_start3A_504] : memref<512xf32, #tpu.memory_space<vmem_shared>> -> memref<512xf32, #tpu.memory_space<vmem_shared>>
        tpu.enqueue_indirect_dma source(%dma_start3A_503 : memref<128xf32, #tpu.memory_space<vmem>>) target(%dma_start3A_505 : memref<512xf32, #tpu.memory_space<vmem_shared>>) offsets(%arg12 : memref<128xi32, #tpu.memory_space<vmem>>) semaphore(%run_scoped3A : memref<!tpu.dma_semaphore, #tpu.memory_space<semaphore_mem>>) {add = true}
        %dma_wait3A = arith.constant 128 : i32
        %dma_wait3A_506 = tpu.memref_slice %arg10[%dma_wait3A] : memref<512xf32, #tpu.memory_space<vmem>> -> memref<128xf32, #tpu.memory_space<vmem>>
        %dma_wait3A_507 = arith.constant 0 : i32
        %dma_wait3A_508 = tpu.memref_slice %arg15[%dma_wait3A_507] : memref<512xf32, #tpu.memory_space<vmem_shared>> -> memref<512xf32, #tpu.memory_space<vmem_shared>>
        tpu.wait_indirect_dma semaphore(%run_scoped3A : memref<!tpu.dma_semaphore, #tpu.memory_space<semaphore_mem>>) src(%dma_wait3A_506 : memref<128xf32, #tpu.memory_space<vmem>>) dst(%dma_wait3A_508 : memref<512xf32, #tpu.memory_space<vmem_shared>>)
        tpu.yield
      }) : () -> ()
    } else {
    }
    %ge3A_483 = arith.constant 256 : i32
    %ge3A_484 = arith.cmpi sge, %reduce_max3A_467, %ge3A_483 : i32
    %lt3A_485 = arith.constant 384 : i32
    %lt3A_486 = arith.cmpi slt, %reduce_min3A_455, %lt3A_485 : i32
    %and3A_487 = arith.andi %ge3A_484, %lt3A_486 : i1
    %convert_element_type3A_488 = arith.extui %and3A_487 : i1 to i32
    %cond3A_489 = arith.constant 0 : i32
    %cond3A_490 = arith.cmpi ne, %convert_element_type3A_488, %cond3A_489 : i32
    scf.if %cond3A_490 {
      "tpu.region"() ({
        %run_scoped3A = tpu.sem_alloc : memref<!tpu.dma_semaphore, #tpu.memory_space<semaphore_mem>>
        %dma_start3A = arith.constant 256 : i32
        %dma_start3A_503 = tpu.memref_slice %arg10[%dma_start3A] : memref<512xf32, #tpu.memory_space<vmem>> -> memref<128xf32, #tpu.memory_space<vmem>>
        %dma_start3A_504 = arith.constant 0 : i32
        %dma_start3A_505 = tpu.memref_slice %arg15[%dma_start3A_504] : memref<512xf32, #tpu.memory_space<vmem_shared>> -> memref<512xf32, #tpu.memory_space<vmem_shared>>
        tpu.enqueue_indirect_dma source(%dma_start3A_503 : memref<128xf32, #tpu.memory_space<vmem>>) target(%dma_start3A_505 : memref<512xf32, #tpu.memory_space<vmem_shared>>) offsets(%arg13 : memref<128xi32, #tpu.memory_space<vmem>>) semaphore(%run_scoped3A : memref<!tpu.dma_semaphore, #tpu.memory_space<semaphore_mem>>) {add = true}
        %dma_wait3A = arith.constant 256 : i32
        %dma_wait3A_506 = tpu.memref_slice %arg10[%dma_wait3A] : memref<512xf32, #tpu.memory_space<vmem>> -> memref<128xf32, #tpu.memory_space<vmem>>
        %dma_wait3A_507 = arith.constant 0 : i32
        %dma_wait3A_508 = tpu.memref_slice %arg15[%dma_wait3A_507] : memref<512xf32, #tpu.memory_space<vmem_shared>> -> memref<512xf32, #tpu.memory_space<vmem_shared>>
        tpu.wait_indirect_dma semaphore(%run_scoped3A : memref<!tpu.dma_semaphore, #tpu.memory_space<semaphore_mem>>) src(%dma_wait3A_506 : memref<128xf32, #tpu.memory_space<vmem>>) dst(%dma_wait3A_508 : memref<512xf32, #tpu.memory_space<vmem_shared>>)
        tpu.yield
      }) : () -> ()
    } else {
    }
    %ge3A_491 = arith.constant 384 : i32
    %ge3A_492 = arith.cmpi sge, %reduce_max3A_467, %ge3A_491 : i32
    %lt3A_493 = arith.constant 512 : i32
    %lt3A_494 = arith.cmpi slt, %reduce_min3A_455, %lt3A_493 : i32
    %and3A_495 = arith.andi %ge3A_492, %lt3A_494 : i1
    %convert_element_type3A_496 = arith.extui %and3A_495 : i1 to i32
    %cond3A_497 = arith.constant 0 : i32
    %cond3A_498 = arith.cmpi ne, %convert_element_type3A_496, %cond3A_497 : i32
    scf.if %cond3A_498 {
      "tpu.region"() ({
        %run_scoped3A = tpu.sem_alloc : memref<!tpu.dma_semaphore, #tpu.memory_space<semaphore_mem>>
        %dma_start3A = arith.constant 384 : i32
        %dma_start3A_503 = tpu.memref_slice %arg10[%dma_start3A] : memref<512xf32, #tpu.memory_space<vmem>> -> memref<128xf32, #tpu.memory_space<vmem>>
        %dma_start3A_504 = arith.constant 0 : i32
        %dma_start3A_505 = tpu.memref_slice %arg15[%dma_start3A_504] : memref<512xf32, #tpu.memory_space<vmem_shared>> -> memref<512xf32, #tpu.memory_space<vmem_shared>>
        tpu.enqueue_indirect_dma source(%dma_start3A_503 : memref<128xf32, #tpu.memory_space<vmem>>) target(%dma_start3A_505 : memref<512xf32, #tpu.memory_space<vmem_shared>>) offsets(%arg14 : memref<128xi32, #tpu.memory_space<vmem>>) semaphore(%run_scoped3A : memref<!tpu.dma_semaphore, #tpu.memory_space<semaphore_mem>>) {add = true}
        %dma_wait3A = arith.constant 384 : i32
        %dma_wait3A_506 = tpu.memref_slice %arg10[%dma_wait3A] : memref<512xf32, #tpu.memory_space<vmem>> -> memref<128xf32, #tpu.memory_space<vmem>>
        %dma_wait3A_507 = arith.constant 0 : i32
        %dma_wait3A_508 = tpu.memref_slice %arg15[%dma_wait3A_507] : memref<512xf32, #tpu.memory_space<vmem_shared>> -> memref<512xf32, #tpu.memory_space<vmem_shared>>
        tpu.wait_indirect_dma semaphore(%run_scoped3A : memref<!tpu.dma_semaphore, #tpu.memory_space<semaphore_mem>>) src(%dma_wait3A_506 : memref<128xf32, #tpu.memory_space<vmem>>) dst(%dma_wait3A_508 : memref<512xf32, #tpu.memory_space<vmem_shared>>)
        tpu.yield
      }) : () -> ()
    } else {
    }
    %barrier3A_499 = arith.constant 0 : index
    tpu.barrier barrier_id(%barrier3A_499)
    %convert_element_type3A_500 = arith.extui %eq3A_0 : i1 to i32
    %cond3A_501 = arith.constant 0 : i32
    %cond3A_502 = arith.cmpi ne, %convert_element_type3A_500, %cond3A_501 : i32
    scf.if %cond3A_502 {
      "tpu.region"() ({
        %run_scoped3A = tpu.sem_alloc : memref<!tpu.dma_semaphore, #tpu.memory_space<semaphore_mem>>
        tpu.enqueue_dma source(%arg15 : memref<512xf32, #tpu.memory_space<vmem_shared>>) target(%arg6 : memref<512xf32, #tpu.memory_space<hbm>>) target_semaphore(%run_scoped3A : memref<!tpu.dma_semaphore, #tpu.memory_space<semaphore_mem>>)
        tpu.wait_dma2 semaphore(%run_scoped3A : memref<!tpu.dma_semaphore, #tpu.memory_space<semaphore_mem>>) src(%arg15 : memref<512xf32, #tpu.memory_space<vmem_shared>>) dst(%arg6 : memref<512xf32, #tpu.memory_space<hbm>>)
        tpu.yield
      }) : () -> ()
    } else {
    }
    return
  }
}

</mosaic_0001>

<sc_bundles>
// kernel: kernel.3.cloned.1.call-start
scs
__scs_entry_jumppad:
0x0: {  	(pc) =	sbr.rel $0x88, $3  }
0x1: {  	(tag) =	ssettag $0x0;
	lr =	simm.s32 $0x1  }
0x2: {  	[smem:$0x3F9D] =	sst lr;
	_ =	strace $0xD0000000  }
0x3: {  	_ = 	snop  }
0x4: {  	_ = 	snop  }
0x5: {  	_ = 	snop  }
0x6: {  	_ = 	snop  }
0x7: {  	_ = 	snop  }
__scs_overlays_trampoline_lowered:
0x8: {  	[smem:$0x3FAC] =	sst s0  }
0x9: {  	[smem:$0x3FAD] =	sst s1  }
0xa: {  	[smem:$0x3FAE] =	sst s2  }
0xb: {  	[smem:$0x3FAF] =	sst s3  }
0xc: {  	[smem:$0x3FB0] =	sst s4  }
0xd: {  	[smem:$0x3FB1] =	sst s5  }
0xe: {  	[smem:$0x3FB2] =	sst s6  }
0xf: {  	[smem:$0x3FB3] =	sst s7  }
0x10: {  	[smem:$0x3FB4] =	sst s8  }
0x11: {  	[smem:$0x3FB5] =	sst s9;
	s0 =	simm.s32 @!p0 $0x0  }
0x12: {  	s1 =	sld [smem:$0x3F9B];
	s0 =	simm.s32 @p0 $0x1  }
0x13: {  	[smem:$0x3FB6] =	sst s0;
	s0 =	simm.s32 @!p1 $0x0  }
0x14: {  	s2 =	sld [smem:$0x3F9A];
	s0 =	simm.s32 @p1 $0x1  }
0x15: {  	[smem:$0x3FB7] =	sst s0;
	s0 =	simm.s32 @!p2 $0x0  }
0x16: {  	s3 =	sld [smem:$0x3FDB];
	s0 =	simm.s32 @p2 $0x1  }
0x17: {  	s4 =	simm.s32 $0x1BF5;
	[smem:$0x3FB9] =	sst s0  }
0x18: {  	s0 =	sld [smem:$0x3F9C];
	_ =	swait.ge [sflag:s4], $0x0  }
0x19: {  	s7 =	sld [smem:$0x3F9D]  }
0x1a: {  	s8 =	sadd.s32 $0xFFFFE003, lr  }
0x1b: {  	s9 =	sadd.s32 $0xFFFFFEF7, lr;
	s5 =	simm.s32 $0xFFFFFFFF;
	p2 =	slt.u32 s8, $0xFFFFF086  }
0x1c: {  	p1 =	slt.u32 s9, $0xF7A;
	s5 =	simm.s32 @!p2 $0x0  }
0x1d: {  	s5 =	simm.s32 @p1 $0x1;
	p0 =	seq.s32 s7, s2  }
0x1e: {  	s7 =	smul.u32 @!p0 $0xF7A, s2;
	p2 =	seq.s32 @!p0 s5, $0x0  }
0x1f: {  	s9 =	smul.u32 $0xF7A, s1;
	s8 =	simm.s32 @!p0 $0x1BF5;
	p2 =	por !p2, p0  }
0x20: {  	[sflag:s8] =	ssyncset.s32 @!p0 $0xFFFFF086;
	s6 =	sadd.s32 @!p0 s3, s7;
	s7 =	simm.s32 @!p0 $0x108  }
0x21: {  	s3 =	sadd.s32 s3, s9;
	s6 =	sadd.s32 @!p0 $0x88, s6;
	s7 =	simm.s32 @p2 $0x1082  }
0x22: {  	[simem:s7], [sflag:s8] =	dma.local @!p0 [hbm:s6], $0xF7A  }
0x23: {  	s9 =	sor.u32 $0xD0000000, s2;
	s6 =	simm.s32 $0x108;
	_ =	swait.ge @!p0 [sflag:s8], $0x0  }
0x24: {  	s3 =	sadd.s32 $0x88, s3;
	s6 =	simm.s32 @!p1 $0x1082;
	[sflag:s4] =	ssyncset.s32 $0xFFFFF086  }
0x25: {  	[simem:s6], [sflag:s4] =	dma.local [hbm:s3], $0xF7A  }
0x26: {  	[smem:$0x3F9D] =	sst s1;
	(tag) =	ssettag s2;
	_ =	strace s9  }
0x27: {  	s1 =	sld [smem:$0x3FAD]  }
0x28: {  	s2 =	sld [smem:$0x3FAE]  }
0x29: {  	s4 =	sld [smem:$0x3FB0]  }
0x2a: {  	p0 =	seq.s32 s5, $0x0;
	s5 =	sld [smem:$0x3FB1]  }
0x2b: {  	s6 =	sld [smem:$0x3FB2]  }
0x2c: {  	s7 =	sld [smem:$0x3FB3]  }
0x2d: {  	s3 =	simm.s32 $0x108;
	s8 =	sld [smem:$0x3FB4]  }
0x2e: {  	s3 =	simm.s32 @!p0 $0x1082;
	s9 =	sld [smem:$0x3FB5]  }
0x2f: {  	lr =	sadd.s32 s0, s3;
	s0 =	sld [smem:$0x3FAC]  }
0x30: {  	s3 =	sld [smem:$0x3FAF]  }
0x31: {  	[smem:$0x3FB8] =	sst s10  }
0x32: {  	s10 =	sld [smem:$0x3FB6];
	_ =	sdelay $0x3  }
0x33: {  	p0 =	seq.s32 s10, $0x1;
	s10 =	sld [smem:$0x3FB8];
	_ =	sdelay $0x3  }
0x34: {  	[smem:$0x3FB8] =	sst s10  }
0x35: {  	s10 =	sld [smem:$0x3FB7];
	_ =	sdelay $0x3  }
0x36: {  	p1 =	seq.s32 s10, $0x1;
	s10 =	sld [smem:$0x3FB8];
	_ =	sdelay $0x3  }
0x37: {  	[smem:$0x3FB8] =	sst s10  }
0x38: {  	s10 =	sld [smem:$0x3FB9]  }
0x39: {  	_ = 	snop;
	(pc) =	sbr.ind lr, $3  }
0x3a: {  	_ = 	snop  }
0x3b: {  	_ = 	snop  }
0x3c: {  	p2 =	seq.s32 s10, $0x1;
	s10 =	sld [smem:$0x3FB8]  }
0x3d: {  	_ =	shalt  }
0x3e: {  	_ =	shalt  }
0x3f: {  	_ =	shalt  }
0x40: {  	_ =	shalt  }
0x41: {  	_ =	shalt  }
0x42: {  	_ =	shalt  }
0x43: {  	_ =	shalt  }
0x44: {  	_ =	shalt  }
0x45: {  	_ =	shalt  }
0x46: {  	_ =	shalt  }
0x47: {  	_ =	shalt  }
0x48: {  	_ =	shalt  }
0x49: {  	_ =	shalt  }
0x4a: {  	_ =	shalt  }
0x4b: {  	_ =	shalt  }
0x4c: {  	_ =	shalt  }
0x4d: {  	_ =	shalt  }
0x4e: {  	_ =	shalt  }
0x4f: {  	_ =	shalt  }
0x50: {  	_ =	shalt  }
0x51: {  	_ =	shalt  }
0x52: {  	_ =	shalt  }
0x53: {  	_ =	shalt  }
0x54: {  	_ =	shalt  }
0x55: {  	_ =	shalt  }
0x56: {  	_ =	shalt  }
0x57: {  	_ =	shalt  }
0x58: {  	_ =	shalt  }
0x59: {  	_ =	shalt  }
0x5a: {  	_ =	shalt  }
0x5b: {  	_ =	shalt  }
0x5c: {  	_ =	shalt  }
0x5d: {  	_ =	shalt  }
0x5e: {  	_ =	shalt  }
0x5f: {  	_ =	shalt  }
0x60: {  	_ =	shalt  }
0x61: {  	_ =	shalt  }
0x62: {  	_ =	shalt  }
0x63: {  	_ =	shalt  }
0x64: {  	_ =	shalt  }
0x65: {  	_ =	shalt  }
0x66: {  	_ =	shalt  }
0x67: {  	_ =	shalt  }
0x68: {  	_ =	shalt  }
0x69: {  	_ =	shalt  }
0x6a: {  	_ =	shalt  }
0x6b: {  	_ =	shalt  }
0x6c: {  	_ =	shalt  }
0x6d: {  	_ =	shalt  }
0x6e: {  	_ =	shalt  }
0x6f: {  	_ =	shalt  }
0x70: {  	_ =	shalt  }
0x71: {  	_ =	shalt  }
0x72: {  	_ =	shalt  }
0x73: {  	_ =	shalt  }
0x74: {  	_ =	shalt  }
0x75: {  	_ =	shalt  }
0x76: {  	_ =	shalt  }
0x77: {  	_ =	shalt  }
0x78: {  	_ =	shalt  }
0x79: {  	_ =	shalt  }
0x7a: {  	_ =	shalt  }
0x7b: {  	_ =	shalt  }
0x7c: {  	_ =	shalt  }
0x7d: {  	_ =	shalt  }
0x7e: {  	_ =	shalt  }
0x7f: {  	_ =	shalt  }
0x80: {  	_ =	shalt  }
0x81: {  	_ =	shalt  }
0x82: {  	_ =	shalt  }
0x83: {  	_ =	shalt  }
0x84: {  	_ =	shalt  }
0x85: {  	_ =	shalt  }
0x86: {  	_ =	shalt  }
0x87: {  	_ =	shalt  }
.Lfunc_end0:
.L_simem_size_0:
called_computation_lowered:
.L_overlay_start_0:
0x88: {  	s0 =	sld [smem:$0x3FD9]  }
0x89: {  	s1 =	sld [smem:$0x3FFE];
	_ =	sdelay $0x3  }
0x8a: {  	s0 =	sadd.s32 s1, s0  }
0x8b: {  	[smem:$0x3FC4] =	sst s0  }
0x8c: {  	_ = 	snop  }
0x8d: {  	s0 =	sld [smem:$0x3FC8]  }
0x8e: {  	s16 =	sld [smem:$0x3FC7]  }
0x8f: {  	s2 =	sld [smem:$0x3FD0];
	(tm) =	ssettm $0x1  }
0x90: {  	s3 =	sld [smem:$0x3FFB];
	_ =	sdelay $0x3  }
0x91: {  	_ =	strace s3  }
0x92: {  	s3 =	sld [smem:$0x3FFC];
	_ =	sdelay $0x3  }
0x93: {  	_ =	strace s3  }
0x94: {  	s3 =	sld [smem:$0x3FFD];
	_ =	sdelay $0x3  }
0x95: {  	_ =	strace s3  }
0x96: {  	_ =	strace $0x8FFFFFFF  }
0x97: {  	s17 =	sld [smem:$0x3FDB];
	_ =	sdelay $0x1  }
0x98: {  	s4 =	simm.s32 $_scs_section_size  }
0x99: {  	s5 =	simm.s32 $_size__tile_overlayer_lowered;
	s6 =	simm.s32 $_tile_overlayer_lowered  }
0x9a: {  	s20 =	simm.s32 $0x1BFF;
	s19 =	sshll.u32 s6, $0x1;
	s3 =	sadd.s32 s4, s17  }
0x9b: {  	s7 =	simm.s32 $0x0;
	s18 =	sshll.u32 s5, $0x1;
	s5 =	sadd.s32 s19, s3  }
0x9c: {  	[timem:s7], [sflag:s20] =	dma.local [hbm:s5], s18  }
0x9d: {  	_ =	swait.ge [sflag:s20], s18  }
0x9e: {  	s4 =	ssub.s32 $0x0, s18;
	[sflag:s20] =	ssyncset.done $0x0  }
0x9f: {  	[sflag:s20] =	ssyncadd.s32 s4;
	_ =	sdelay $0x1  }
0xa0: {  	s21 =	simm.s32 $0x1B8B  }
0xa1: {  	_ =	swait.ge [sflag:s21], $0x1  }
0xa2: {  	[sflag:s21] =	ssyncset.done $0x0  }
0xa3: {  	s23 =	simm.s32 $0x1B8E;
	s22 =	sld [smem:$0x3FFE];
	[sflag:s21] =	ssyncadd.s32 $0xFFFFFFFF  }
0xa4: {  	s24 =	simm.s32 $execute0_lowered;
	[smem:$0x3FD2] =	sst s23  }
0xa5: {  	s5 =	sshll.u32 s24, $0x1;
	_ =	strace $0x80000046;
	[dreg:$0x1] =	wrdreg $0xFFFFFFFF  }
0xa6: {  	s25 =	simm.s32 $_size_execute0_lowered;
	s3 =	sadd.s32 s3, s5;
	[dreg:$0x0] =	wrdreg $0x0  }
0xa7: {  	s5 =	sshll.u32 s25, $0x1;
	[dreg:$0x2] =	wrdreg s3  }
0xa8: {  	[dreg:$0x3] =	wrdreg s5  }
0xa9: {  	[dreg:$0x4] =	wrdreg $0xC0  }
0xaa: {  	_ =	task [dreg:s7], $0x5FFFF  }
0xab: {  	[dreg:$0x1] =	wrdreg $0xFFFFFFFF  }
0xac: {  	[dreg:$0x0] =	wrdreg $0x60  }
0xad: {  	[dreg:$0x2] =	wrdreg s22  }
0xae: {  	[dreg:$0x3] =	wrdreg s0  }
0xaf: {  	[dreg:$0x4] =	wrdreg s16  }
0xb0: {  	[dreg:$0x5] =	wrdreg s2  }
0xb1: {  	[dreg:$0x6] =	wrdreg $0x36800  }
0xb2: {  	[dreg:$0x7] =	wrdreg $0x9  }
0xb3: {  	_ =	task.clear_ibuf [dreg:s7], $0x8FFFF;
	_ =	strace $0x90000046  }
0xb4: {  	s26 =	simm.s32 $0x9;
	_ =	strace $0x80000048  }
0xb5: {  	_ =	swait.ge [sflag:s26], $0x1  }
0xb6: {  	[sflag:s26] =	ssyncadd.s32 $0xFFFFFFFF  }
0xb7: {  	_ =	strace $0x90000048  }
0xb8: {  	_ =	sfence  }
0xb9: {  	s28 =	sld [smem:$0x0];
	_ =	sdelay $0x1  }
0xba: {  	s29 =	srdreg.scid  }
0xbb: {  	s30 =	sshll.u32 s29, $0xD;
	s31 =	sshrl.u32 s29, $0x2  }
0xbc: {  	s1 =	sand.u32 $0x1, s29;
	s2 =	sand.u32 $0x4000, s30;
	s0 =	sadd.s32 s31, s28  }
0xbd: {  	s1 =	sor.u32 s2, s1;
	s0 =	sshll.u32 s0, $0x11  }
0xbe: {  	s0 =	sor.u32 s0, s1  }
0xbf: {  	s0 =	sadd.s32 $0x8F2B, s0  }
0xc0: {  	[sflag:s0] =	ssyncadd.remote.s32 $0x1  }
0xc1: {  	_ =	sfence.sel $0xFFFF  }
0xc2: {  	[dreg:$0x0] =	wrdreg $0xFFFFFFFF;
	(pc) =	sbr.abs _section_cstart, $3  }
0xc3: {  	[dreg:$0x1] =	wrdreg $0xFFFFFFFF  }
0xc4: {  	_ =	task.clear_ibuf [dreg:s7], $0x2FFFF;
	_ =	strace $0x9FFFFFFF  }
0xc5: {  	(tm) =	ssettm $0x7FFFFFFF  }
tec
execute0_lowered:
.L_overlay_start_1:
0x0: {  	(tag) =	ssettag $0x1  }
0x1: {  	s5 =	rddreg [dreg:$0x0]  }
0x2: {  	s3 =	rddreg [dreg:$0x1];
	s0 =	stileid.u32  }
0x3: {  	s6 =	rddreg [dreg:$0x2];
	p0 =	sne.s32 s0, $0x0  }
0x4: {  	s1 =	rddreg [dreg:$0x3];
	s7 =	smul.u32 @p0 $0x1890, s0  }
0x5: {  	s2 =	rddreg [dreg:$0x4];
	s4 =	simm.s32 $0x0  }
0x6: {  	[smem:$0x7FF] =	sst s4;
	s7 =	sadd.s32 @p0 $0xFFFFFDA0, s7  }
0x7: {  	s0 =	rddreg [dreg:$0x5];
	s7 =	sshrl.u32 @p0 s7, $0x3  }
0x8: {  	_ =	strace $0x80000047;
	s9 =	simm.s32 @p0 $0x0;
	s8 =	sadd.s32 @p0 s3, s7  }
0x9: {  	[tilespmem:s9], [sflag:$0x1] =	stream.linear.gather @p0 [hbm4b:s8+s9], $0x1890, $0x38;
	[tilespmem:$0x36A0] =	vst v63  }
0xa: {  	s7 =	sadd.s32 @p0 s6, s7;
	s8 =	simm.s32 @p0 $0x1900  }
0xb: {  	[tilespmem:s8], [sflag:$0x2] =	stream.linear.gather @p0 [hbm4b:s7+s9], $0x1890, $0x38;
	[tilespmem:$0x36A0] =	vst v63  }
0xc: {  	s7 =	simm.s32 @p0 $0x1  }
0xd: {  	_ =	swait.ge @p0 [sflag:s7], $0x1890  }
0xe: {  	[sflag:s7] =	ssyncset.done @p0 $0x0  }
0xf: {  	[sflag:s7] =	ssyncadd.s32 @p0 $0xFFFFE770;
	s7 =	simm.s32 @p0 $0x2  }
0x10: {  	_ =	swait.ge @p0 [sflag:s7], $0x1890  }
0x11: {  	[sflag:s7] =	ssyncset.done @p0 $0x0  }
0x12: {  	[sflag:s7] =	ssyncadd.s32 @p0 $0xFFFFE770;
	s7 =	simm.s32 @!p0 $0x0  }
0x13: {  	[tilespmem:s7], [sflag:$0x1] =	stream.linear.gather @!p0 [hbm4b:s3+s7], $0x1630, $0x38;
	[tilespmem:$0x36A0] =	vst v63  }
0x14: {  	s3 =	simm.s32 @!p0 $0x1900  }
0x15: {  	[tilespmem:s3], [sflag:$0x2] =	stream.linear.gather @!p0 [hbm4b:s6+s7], $0x1630, $0x38;
	[tilespmem:$0x36A0] =	vst v63  }
0x16: {  	s6 =	sadd.s32 $0xA00, s5;
	s3 =	sshrl.u32 @!p0 s2, $0x3;
	s7 =	simm.s32 @!p0 $0x1C03  }
0x17: {  	[spmem:s3], [sflag:s7] =	dma.local @!p0 [hbm:s6], $0x40  }
0x18: {  	s6 =	simm.s32 @!p0 $0x3  }
0x19: {  	_ =	swait.ge @!p0 [sflag:s6], $0x40  }
0x1a: {  	[sflag:s6] =	ssyncset.done @!p0 $0x0  }
0x1b: {  	[sflag:s6] =	ssyncadd.s32 @!p0 $0xFFFFFFC0;
	s6 =	simm.s32 @!p0 $0x1  }
0x1c: {  	_ =	swait.ge @!p0 [sflag:s6], $0x1630  }
0x1d: {  	[sflag:s6] =	ssyncset.done @!p0 $0x0  }
0x1e: {  	[sflag:s6] =	ssyncadd.s32 @!p0 $0xFFFFE9D0;
	s6 =	simm.s32 @!p0 $0x2  }
0x1f: {  	_ =	swait.ge @!p0 [sflag:s6], $0x1630  }
0x20: {  	s31 =	simm.s32 $0x3;
	[sflag:s6] =	ssyncset.done @!p0 $0x0  }
0x21: {  	s5 =	sadd.s32 $0x800, s5;
	[sflag:s6] =	ssyncadd.s32 @!p0 $0xFFFFE9D0;
	s6 =	simm.s32 $0x3200  }
0x22: {  	[tilespmem:s6], [sflag:$0x3] =	stream.linear.gather [hbm4b:s5+s4], $0x80, $0x38;
	[tilespmem:$0x36A0] =	vst v63  }
0x23: {  	_ =	swait.ge [sflag:s31], $0x80  }
0x24: {  	[sflag:s31] =	ssyncset.done $0x0  }
0x25: {  	v0 =	vimm.f32 $0.0e+00;
	[sflag:s31] =	ssyncadd.s32 $0xFFFFFF80  }
0x26: {  	[tilespmem:$0x3280] =	vst v0  }
0x27: {  	[tilespmem:$0x3290] =	vst v0  }
0x28: {  	[tilespmem:$0x32A0] =	vst v0  }
0x29: {  	[tilespmem:$0x32B0] =	vst v0  }
0x2a: {  	[tilespmem:$0x32C0] =	vst v0  }
0x2b: {  	[tilespmem:$0x32D0] =	vst v0  }
0x2c: {  	[tilespmem:$0x32E0] =	vst v0  }
0x2d: {  	[tilespmem:$0x32F0] =	vst v0  }
0x2e: {  	[tilespmem:$0x3300] =	vst v0  }
0x2f: {  	[tilespmem:$0x3310] =	vst v0  }
0x30: {  	[tilespmem:$0x3320] =	vst v0  }
0x31: {  	[tilespmem:$0x3330] =	vst v0  }
0x32: {  	[tilespmem:$0x3340] =	vst v0  }
0x33: {  	[tilespmem:$0x3350] =	vst v0  }
0x34: {  	[tilespmem:$0x3360] =	vst v0  }
0x35: {  	[tilespmem:$0x3370] =	vst v0  }
0x36: {  	[tilespmem:$0x3380] =	vst v0  }
0x37: {  	[tilespmem:$0x3390] =	vst v0  }
0x38: {  	[tilespmem:$0x33A0] =	vst v0  }
0x39: {  	[tilespmem:$0x33B0] =	vst v0  }
0x3a: {  	[tilespmem:$0x33C0] =	vst v0  }
0x3b: {  	[tilespmem:$0x33D0] =	vst v0  }
0x3c: {  	[tilespmem:$0x33E0] =	vst v0  }
0x3d: {  	[tilespmem:$0x33F0] =	vst v0  }
0x3e: {  	[tilespmem:$0x3400] =	vst v0  }
0x3f: {  	[tilespmem:$0x3410] =	vst v0  }
0x40: {  	[tilespmem:$0x3420] =	vst v0  }
0x41: {  	[tilespmem:$0x3430] =	vst v0  }
0x42: {  	[tilespmem:$0x3440] =	vst v0  }
0x43: {  	[tilespmem:$0x3450] =	vst v0  }
0x44: {  	[tilespmem:$0x3460] =	vst v0  }
0x45: {  	[tilespmem:$0x3470] =	vst v0;
	v0 =	vlaneseq.u32  }
0x46: {  	[tilespmem:$0x3480] =	vst v0;
	v1 =	vor.u32 $0x10, v0  }
0x47: {  	[tilespmem:$0x3490] =	vst v1;
	v1 =	vor.u32 $0x20, v0  }
0x48: {  	[tilespmem:$0x34A0] =	vst v1;
	v1 =	vor.u32 $0x30, v0  }
0x49: {  	[tilespmem:$0x34B0] =	vst v1;
	v1 =	vor.u32 $0x40, v0  }
0x4a: {  	[tilespmem:$0x34C0] =	vst v1;
	v1 =	vor.u32 $0x50, v0  }
0x4b: {  	[tilespmem:$0x34D0] =	vst v1;
	v1 =	vor.u32 $0x60, v0  }
0x4c: {  	[tilespmem:$0x34E0] =	vst v1;
	v1 =	vor.u32 $0x70, v0  }
0x4d: {  	[tilespmem:$0x34F0] =	vst v1;
	v1 =	vor.u32 $0x80, v0  }
0x4e: {  	[tilespmem:$0x3500] =	vst v1;
	v1 =	vor.u32 $0x90, v0  }
0x4f: {  	[tilespmem:$0x3510] =	vst v1;
	v1 =	vor.u32 $0xA0, v0  }
0x50: {  	[tilespmem:$0x3520] =	vst v1;
	v1 =	vor.u32 $0xB0, v0  }
0x51: {  	[tilespmem:$0x3530] =	vst v1;
	v1 =	vor.u32 $0xC0, v0  }
0x52: {  	[tilespmem:$0x3540] =	vst v1;
	v1 =	vor.u32 $0xD0, v0  }
0x53: {  	[tilespmem:$0x3550] =	vst v1;
	v1 =	vor.u32 $0xE0, v0  }
0x54: {  	[tilespmem:$0x3560] =	vst v1;
	v1 =	vor.u32 $0xF0, v0  }
0x55: {  	[tilespmem:$0x3570] =	vst v1;
	v1 =	vor.u32 $0x100, v0  }
0x56: {  	[tilespmem:$0x3580] =	vst v1;
	v1 =	vor.u32 $0x110, v0  }
0x57: {  	[tilespmem:$0x3590] =	vst v1;
	v1 =	vor.u32 $0x120, v0  }
0x58: {  	[tilespmem:$0x35A0] =	vst v1;
	v1 =	vor.u32 $0x130, v0  }
0x59: {  	[tilespmem:$0x35B0] =	vst v1;
	v1 =	vor.u32 $0x140, v0  }
0x5a: {  	[tilespmem:$0x35C0] =	vst v1;
	v1 =	vor.u32 $0x150, v0  }
0x5b: {  	[tilespmem:$0x35D0] =	vst v1;
	v1 =	vor.u32 $0x160, v0  }
0x5c: {  	[tilespmem:$0x35E0] =	vst v1;
	v1 =	vor.u32 $0x170, v0  }
0x5d: {  	[tilespmem:$0x35F0] =	vst v1;
	v1 =	vor.u32 $0x180, v0  }
0x5e: {  	[tilespmem:$0x3600] =	vst v1;
	v1 =	vor.u32 $0x190, v0  }
0x5f: {  	[tilespmem:$0x3610] =	vst v1;
	v1 =	vor.u32 $0x1A0, v0  }
0x60: {  	[tilespmem:$0x3620] =	vst v1;
	v1 =	vor.u32 $0x1B0, v0  }
0x61: {  	[tilespmem:$0x3630] =	vst v1;
	v1 =	vor.u32 $0x1C0, v0  }
0x62: {  	[tilespmem:$0x3640] =	vst v1;
	v1 =	vor.u32 $0x1D0, v0  }
0x63: {  	s5 =	simm.s32 @!p0 $0x163;
	[tilespmem:$0x3650] =	vst v1;
	v1 =	vor.u32 $0x1E0, v0  }
0x64: {  	s7 =	simm.s32 @!p0 $0x2C;
	s5 =	simm.s32 @p0 $0x189;
	[tilespmem:$0x3660] =	vst v1;
	v1 =	vor.u32 $0x1F0, v0  }
0x65: {  	s10 =	simm.s32 $0x0;
	s8 =	simm.s32 $0x1900;
	s7 =	simm.s32 @p0 $0x31;
	v0 =	vmul.u32 s5, v0;
	[tilespmem:$0x3670] =	vst v1  }
0x66: {  	s9 =	simm.s32 $0x3280;
	s7 =	sshll.u32 s7, $0x3;
	[bflag:$0x0] =	sbarrier.arrive $0xFFFF  }
.LBB2_1:
0x67: {  	v1 =	vadd.s32 s10, v0;
	_ =	sdelay $0x4  }
0x68: {  	v2 =	vld.idx.msk [tilespmem:v1+s4+$0x0], $0xffff;
	_ =	sdelay $0x4  }
0x69: {  	v1 =	vld.idx.msk [tilespmem:v1+s8+$0x0], $0xffff;
	_ =	sdelay $0x2  }
0x6a: {  	s11 =	sadd.s32 $0x1, s10;
	v2 =	vld.idx.msk [tilespmem:v2+s6+$0x0], $0xffff  }
0x6b: {  	v3 =	vadd.s32 s11, v0;
	_ =	sdelay $0x3  }
0x6c: {  	[tilespmem:v1+s9+$0x0] =	vst.idx.add.f32.msk $0xffff, v2  }
0x6d: {  	v1 =	vld.idx.msk [tilespmem:v3+s4+$0x0], $0xffff;
	_ =	sdelay $0x4  }
0x6e: {  	v2 =	vld.idx.msk [tilespmem:v3+s8+$0x0], $0xffff;
	_ =	sdelay $0x2  }
0x6f: {  	s25 =	sadd.s32 $0x2, s10;
	v1 =	vld.idx.msk [tilespmem:v1+s6+$0x0], $0xffff  }
0x70: {  	v3 =	vadd.s32 s25, v0;
	_ =	sdelay $0x3  }
0x71: {  	[tilespmem:v2+s9+$0x0] =	vst.idx.add.f32.msk $0xffff, v1  }
0x72: {  	v1 =	vld.idx.msk [tilespmem:v3+s4+$0x0], $0xffff;
	_ =	sdelay $0x4  }
0x73: {  	v2 =	vld.idx.msk [tilespmem:v3+s8+$0x0], $0xffff;
	_ =	sdelay $0x2  }
0x74: {  	s26 =	sadd.s32 $0x3, s10;
	v1 =	vld.idx.msk [tilespmem:v1+s6+$0x0], $0xffff  }
0x75: {  	v3 =	vadd.s32 s26, v0;
	_ =	sdelay $0x3  }
0x76: {  	[tilespmem:v2+s9+$0x0] =	vst.idx.add.f32.msk $0xffff, v1  }
0x77: {  	v1 =	vld.idx.msk [tilespmem:v3+s4+$0x0], $0xffff;
	_ =	sdelay $0x4  }
0x78: {  	v2 =	vld.idx.msk [tilespmem:v3+s8+$0x0], $0xffff;
	_ =	sdelay $0x2  }
0x79: {  	s28 =	sadd.s32 $0x4, s10;
	v1 =	vld.idx.msk [tilespmem:v1+s6+$0x0], $0xffff  }
0x7a: {  	v3 =	vadd.s32 s28, v0;
	_ =	sdelay $0x3  }
0x7b: {  	[tilespmem:v2+s9+$0x0] =	vst.idx.add.f32.msk $0xffff, v1  }
0x7c: {  	v1 =	vld.idx.msk [tilespmem:v3+s4+$0x0], $0xffff;
	_ =	sdelay $0x4  }
0x7d: {  	v2 =	vld.idx.msk [tilespmem:v3+s8+$0x0], $0xffff;
	_ =	sdelay $0x2  }
0x7e: {  	s29 =	sadd.s32 $0x5, s10;
	v1 =	vld.idx.msk [tilespmem:v1+s6+$0x0], $0xffff  }
0x7f: {  	v3 =	vadd.s32 s29, v0;
	_ =	sdelay $0x3  }
0x80: {  	[tilespmem:v2+s9+$0x0] =	vst.idx.add.f32.msk $0xffff, v1  }
0x81: {  	v1 =	vld.idx.msk [tilespmem:v3+s4+$0x0], $0xffff;
	_ =	sdelay $0x4  }
0x82: {  	v2 =	vld.idx.msk [tilespmem:v3+s8+$0x0], $0xffff;
	_ =	sdelay $0x2  }
0x83: {  	s30 =	sadd.s32 $0x6, s10;
	v1 =	vld.idx.msk [tilespmem:v1+s6+$0x0], $0xffff  }
0x84: {  	v3 =	vadd.s32 s30, v0;
	_ =	sdelay $0x3  }
0x85: {  	[tilespmem:v2+s9+$0x0] =	vst.idx.add.f32.msk $0xffff, v1  }
0x86: {  	v1 =	vld.idx.msk [tilespmem:v3+s4+$0x0], $0xffff;
	_ =	sdelay $0x4  }
0x87: {  	v2 =	vld.idx.msk [tilespmem:v3+s8+$0x0], $0xffff;
	_ =	sdelay $0x2  }
0x88: {  	s31 =	sadd.s32 $0x7, s10;
	v1 =	vld.idx.msk [tilespmem:v1+s6+$0x0], $0xffff  }
0x89: {  	v3 =	vadd.s32 s31, v0;
	_ =	sdelay $0x3  }
0x8a: {  	[tilespmem:v2+s9+$0x0] =	vst.idx.add.f32.msk $0xffff, v1  }
0x8b: {  	v1 =	vld.idx.msk [tilespmem:v3+s4+$0x0], $0xffff;
	_ =	sdelay $0x4  }
0x8c: {  	v2 =	vld.idx.msk [tilespmem:v3+s8+$0x0], $0xffff;
	_ =	sdelay $0x1  }
0x8d: {  	s10 =	sadd.s32 $0x8, s10  }
0x8e: {  	p1 =	sne.s32 s7, s10;
	v1 =	vld.idx.msk [tilespmem:v1+s6+$0x0], $0xffff  }
.Ltmp0:
0x8f: {  	_ = 	snop;
	(pc) =	sbr.rel @p1 .LBB2_1-.Ltmp0, $2  }
0x90: {  	_ =	sdelay $0x2  }
0x91: {  	[tilespmem:v2+s9+$0x0] =	vst.idx.add.f32.msk $0xffff, v1  }
0x92: {  	v1 =	vadd.s32 s7, v0;
	_ =	sdelay $0x3  }
0x93: {  	s6 =	simm.s32 $0x0  }
0x94: {  	v2 =	vld.idx.msk [tilespmem:v1+s6+$0x0], $0xffff;
	_ =	sdelay $0x3  }
0x95: {  	s4 =	simm.s32 $0x1900  }
0x96: {  	v1 =	vld.idx.msk [tilespmem:v1+s4+$0x0], $0xffff;
	v2 =	vand.u32 $0x7F, v2;
	_ =	sdelay $0x1  }
0x97: {  	vm0 =	vmxor vm0, vm0  }
0x98: {  	p1 =	slt.u32 s7, s5;
	vm1 =	vmmov vm0  }
0x99: {  	s8 =	simm.s32 $0x3200;
	vm1 =	vmneg @p1 vm1  }
0x9a: {  	s9 =	sor.u32 $0x1, s7;
	v1 =	vand.u32 $0x1FF, v1;
	v2 =	vld.idx.msk [tilespmem:v2+s8+$0x0], $0xffff  }
0x9b: {  	v3 =	vadd.s32 s9, v0;
	_ =	sdelay $0x2  }
0x9c: {  	s10 =	simm.s32 $0x3280  }
0x9d: {  	[tilespmem:v1+s10+$0x0] =	vst.idx.add.f32.msk vm1, v2  }
0x9e: {  	v1 =	vld.idx.msk [tilespmem:v3+s6+$0x0], $0xffff;
	_ =	sdelay $0x4  }
0x9f: {  	v2 =	vld.idx.msk [tilespmem:v3+s4+$0x0], $0xffff;
	v1 =	vand.u32 $0x7F, v1;
	_ =	sdelay $0x2  }
0xa0: {  	p1 =	slt.u32 s9, s5;
	vm1 =	vmmov vm0  }
0xa1: {  	vm1 =	vmneg @p1 vm1  }
0xa2: {  	s28 =	sor.u32 $0x2, s7;
	v2 =	vand.u32 $0x1FF, v2;
	v1 =	vld.idx.msk [tilespmem:v1+s8+$0x0], $0xffff  }
0xa3: {  	v58 =	vadd.s32 s28, v0;
	_ =	sdelay $0x3  }
0xa4: {  	[tilespmem:v2+s10+$0x0] =	vst.idx.add.f32.msk vm1, v1  }
0xa5: {  	v1 =	vld.idx.msk [tilespmem:v58+s6+$0x0], $0xffff;
	_ =	sdelay $0x4  }
0xa6: {  	v0 =	vld.idx.msk [tilespmem:v58+s4+$0x0], $0xffff;
	v1 =	vand.u32 $0x7F, v1;
	_ =	sdelay $0x2  }
0xa7: {  	p1 =	slt.u32 s28, s5  }
0xa8: {  	vm0 =	vmneg @p1 vm0  }
0xa9: {  	v0 =	vand.u32 $0x1FF, v0;
	v1 =	vld.idx.msk [tilespmem:v1+s8+$0x0], $0xffff;
	_ =	sdelay $0x4  }
0xaa: {  	[tilespmem:v0+s10+$0x0] =	vst.idx.add.f32.msk vm0, v1  }
0xab: {  	v0 =	vld [tilespmem:$0x3280]  }
0xac: {  	v1 =	vld [tilespmem:$0x3290]  }
0xad: {  	v2 =	vld [tilespmem:$0x32A0]  }
0xae: {  	v59 =	vld [tilespmem:$0x32B0]  }
0xaf: {  	v4 =	vld [tilespmem:$0x32C0]  }
0xb0: {  	v5 =	vld [tilespmem:$0x32D0];
	v0 =	vsub.f32 $0.0e+00, v0  }
0xb1: {  	v6 =	vld [tilespmem:$0x32E0];
	v1 =	vsub.f32 $0.0e+00, v1  }
0xb2: {  	v61 =	vld [tilespmem:$0x32F0];
	v60 =	vsub.f32 $0.0e+00, v2;
	[tilespmem:$0x3280] =	vst v0  }
0xb3: {  	v63 =	vld [tilespmem:$0x3300];
	v62 =	vsub.f32 $0.0e+00, v59;
	[tilespmem:$0x3290] =	vst v1  }
0xb4: {  	v9 =	vld [tilespmem:$0x3310];
	v8 =	vsub.f32 $0.0e+00, v4;
	[tilespmem:$0x32A0] =	vst v60  }
0xb5: {  	v11 =	vld [tilespmem:$0x3320];
	v10 =	vsub.f32 $0.0e+00, v5;
	[tilespmem:$0x32B0] =	vst v62  }
0xb6: {  	v13 =	vld [tilespmem:$0x3330];
	v12 =	vsub.f32 $0.0e+00, v6;
	[tilespmem:$0x32C0] =	vst v8  }
0xb7: {  	v15 =	vld [tilespmem:$0x3340];
	v14 =	vsub.f32 $0.0e+00, v61;
	[tilespmem:$0x32D0] =	vst v10  }
0xb8: {  	v17 =	vld [tilespmem:$0x3350];
	v16 =	vsub.f32 $0.0e+00, v63;
	[tilespmem:$0x32E0] =	vst v12  }
0xb9: {  	v19 =	vld [tilespmem:$0x3360];
	v18 =	vsub.f32 $0.0e+00, v9;
	[tilespmem:$0x32F0] =	vst v14  }
0xba: {  	v21 =	vld [tilespmem:$0x3370];
	v20 =	vsub.f32 $0.0e+00, v11;
	[tilespmem:$0x3300] =	vst v16  }
0xbb: {  	v23 =	vld [tilespmem:$0x3380];
	v22 =	vsub.f32 $0.0e+00, v13;
	[tilespmem:$0x3310] =	vst v18  }
0xbc: {  	v25 =	vld [tilespmem:$0x3390];
	v24 =	vsub.f32 $0.0e+00, v15;
	[tilespmem:$0x3320] =	vst v20  }
0xbd: {  	v27 =	vld [tilespmem:$0x33A0];
	v26 =	vsub.f32 $0.0e+00, v17;
	[tilespmem:$0x3330] =	vst v22  }
0xbe: {  	v29 =	vld [tilespmem:$0x33B0];
	v28 =	vsub.f32 $0.0e+00, v19;
	[tilespmem:$0x3340] =	vst v24  }
0xbf: {  	v31 =	vld [tilespmem:$0x33C0];
	v30 =	vsub.f32 $0.0e+00, v21;
	[tilespmem:$0x3350] =	vst v26  }
0xc0: {  	v33 =	vld [tilespmem:$0x33D0];
	v32 =	vsub.f32 $0.0e+00, v23;
	[tilespmem:$0x3360] =	vst v28  }
0xc1: {  	v35 =	vld [tilespmem:$0x33E0];
	v34 =	vsub.f32 $0.0e+00, v25;
	[tilespmem:$0x3370] =	vst v30  }
0xc2: {  	v37 =	vld [tilespmem:$0x33F0];
	v36 =	vsub.f32 $0.0e+00, v27;
	[tilespmem:$0x3380] =	vst v32  }
0xc3: {  	v39 =	vld [tilespmem:$0x3400];
	v38 =	vsub.f32 $0.0e+00, v29;
	[tilespmem:$0x3390] =	vst v34  }
0xc4: {  	v41 =	vld [tilespmem:$0x3410];
	v40 =	vsub.f32 $0.0e+00, v31;
	[tilespmem:$0x33A0] =	vst v36  }
0xc5: {  	v43 =	vld [tilespmem:$0x3420];
	v42 =	vsub.f32 $0.0e+00, v33;
	[tilespmem:$0x33B0] =	vst v38  }
0xc6: {  	v45 =	vld [tilespmem:$0x3430];
	v44 =	vsub.f32 $0.0e+00, v35;
	[tilespmem:$0x33C0] =	vst v40  }
0xc7: {  	v47 =	vld [tilespmem:$0x3440];
	v46 =	vsub.f32 $0.0e+00, v37;
	[tilespmem:$0x33D0] =	vst v42  }
0xc8: {  	v49 =	vld [tilespmem:$0x3450];
	v48 =	vsub.f32 $0.0e+00, v39;
	[tilespmem:$0x33E0] =	vst v44  }
0xc9: {  	v51 =	vld [tilespmem:$0x3460];
	v50 =	vsub.f32 $0.0e+00, v41;
	[tilespmem:$0x33F0] =	vst v46  }
0xca: {  	v53 =	vld [tilespmem:$0x3470];
	v52 =	vsub.f32 $0.0e+00, v43;
	[tilespmem:$0x3400] =	vst v48  }
0xcb: {  	s29 =	sshll.u32 s5, $0x4;
	v54 =	vsub.f32 $0.0e+00, v45;
	[tilespmem:$0x3410] =	vst v50  }
0xcc: {  	v56 =	vlaneseq.u32;
	s5 =	sadd.s32 $0xFFFFFFF0, s29;
	v55 =	vsub.f32 $0.0e+00, v47;
	[tilespmem:$0x3420] =	vst v52  }
0xcd: {  	v57 =	vsub.f32 $0.0e+00, v49;
	v2 =	vor.u32 s5, v56;
	[tilespmem:$0x3430] =	vst v54  }
0xce: {  	v58 =	vsub.f32 $0.0e+00, v51;
	[tilespmem:$0x3440] =	vst v55  }
0xcf: {  	v59 =	vsub.f32 $0.0e+00, v53;
	[tilespmem:$0x3450] =	vst v57  }
0xd0: {  	[tilespmem:$0x3460] =	vst v58  }
0xd1: {  	[tilespmem:$0x3470] =	vst v59;
	v60 =	vld [tilespmem:$0x1900]  }
0xd2: {  	v1 =	vld.idx.msk [tilespmem:v2+s4+$0x0], $0xffff;
	_ =	sdelay $0x3  }
0xd3: {  	v0 =	vxor.u32 $0x80000000, v60  }
0xd4: {  	(xrf0) =	vmin.scan.msk.u32 $0xffff, v0;
	v61 =	vxor.u32 $0x80000000, v1  }
0xd5: {  	(xrf0) =	vmax.scan.msk.u32 $0xffff, v61;
	_ =	sdelay $0x4  }
0xd6: {  	v62, _, _ =	vpop (xrf0)  }
0xd7: {  	(v2sf) =	vpush v62, $0xF;
	v63, _, _ =	vpop (xrf0)  }
0xd8: {  	(v2sf) =	vpush v63, $0xF;
	_ =	sdelay $0xd  }
0xd9: {  	s30 =	spop (v2sf)  }
0xda: {  	s31 =	spop (v2sf)  }
0xdb: {  	s4 =	sxor.u32 $0x80000000, s30;
	p1 =	sgt.s32 s31, $0xFFFFFFFF  }
0xdc: {  	p2 =	sgt.s32 @!p1 s4, $0x7F  }
0xdd: {  	p1 =	por p2, p1  }
0xde: {  	s6 =	simm.s32 @!p1 $0x80;
	s7 =	simm.s32 @!p1 $0x3480;
	s8 =	simm.s32 @!p1 $0x3280  }
0xdf: {  	[spmem:s2] =	stream.indirect.scatter.add.f32 @!p1 [tilespmem:s8], [sflag:$0x3], $0x1, s7, s6, $0xb8;
	[tilespmem:$0x36A0] =	vst v63  }
0xe0: {  	s6 =	simm.s32 @!p1 $0x3  }
0xe1: {  	s5 =	sxor.u32 $0x80000000, s31;
	p2 =	sgt.s32 s4, $0xFF;
	_ =	swait.ge @!p1 [sflag:s6], $0x80  }
0xe2: {  	p3 =	slt.s32 @!p2 s5, $0x80;
	[sflag:s6] =	ssyncset.done @!p1 $0x0  }
0xe3: {  	[sflag:s6] =	ssyncadd.s32 @!p1 $0xFFFFFF80;
	p1 =	por p3, p2  }
0xe4: {  	s6 =	simm.s32 @!p1 $0x80;
	s7 =	simm.s32 @!p1 $0x3500;
	s8 =	simm.s32 @!p1 $0x3300  }
0xe5: {  	[spmem:s2] =	stream.indirect.scatter.add.f32 @!p1 [tilespmem:s8], [sflag:$0x3], $0x1, s7, s6, $0xb8;
	[tilespmem:$0x36A0] =	vst v63  }
0xe6: {  	s6 =	simm.s32 @!p1 $0x3  }
0xe7: {  	p2 =	sgt.s32 s4, $0x17F;
	_ =	swait.ge @!p1 [sflag:s6], $0x80  }
0xe8: {  	p3 =	slt.s32 @!p2 s5, $0x100;
	[sflag:s6] =	ssyncset.done @!p1 $0x0  }
0xe9: {  	[sflag:s6] =	ssyncadd.s32 @!p1 $0xFFFFFF80;
	p1 =	por p3, p2  }
0xea: {  	s6 =	simm.s32 @!p1 $0x80;
	s7 =	simm.s32 @!p1 $0x3580;
	s8 =	simm.s32 @!p1 $0x3380  }
0xeb: {  	[spmem:s2] =	stream.indirect.scatter.add.f32 @!p1 [tilespmem:s8], [sflag:$0x3], $0x1, s7, s6, $0xb8;
	[tilespmem:$0x36A0] =	vst v63  }
0xec: {  	s6 =	simm.s32 @!p1 $0x3  }
0xed: {  	p2 =	sgt.s32 s4, $0x1FF;
	_ =	swait.ge @!p1 [sflag:s6], $0x80  }
0xee: {  	p3 =	slt.s32 @!p2 s5, $0x180;
	[sflag:s6] =	ssyncset.done @!p1 $0x0  }
0xef: {  	[sflag:s6] =	ssyncadd.s32 @!p1 $0xFFFFFF80;
	p1 =	por p3, p2  }
0xf0: {  	s4 =	simm.s32 @!p1 $0x80;
	s5 =	simm.s32 @!p1 $0x3600;
	s6 =	simm.s32 @!p1 $0x3400  }
0xf1: {  	[spmem:s2] =	stream.indirect.scatter.add.f32 @!p1 [tilespmem:s6], [sflag:$0x3], $0x1, s5, s4, $0xb8;
	[tilespmem:$0x36A0] =	vst v63  }
0xf2: {  	s2 =	simm.s32 @!p1 $0x3  }
0xf3: {  	_ =	swait.ge @!p1 [sflag:s2], $0x80  }
0xf4: {  	[sflag:s2] =	ssyncset.done @!p1 $0x0  }
0xf5: {  	[sflag:s2] =	ssyncadd.s32 @!p1 $0xFFFFFF80  }
0xf6: {  	[bflag:$0x0] =	sbarrier.arrive $0xFFFF  }
0xf7: {  	_ =	sfence.sel @p0 $0x180000  }
0xf8: {  	[bflag:$0x0] =	sbarrier.arrive @p0 $0xFFFF  }
0xf9: {  	_ =	strace @p0 $0x90000047  }
0xfa: {  	s2 =	simm.s32 @!p0 $0x1C03;
	[bflag:$0x2] =	sbarrier.arrive @p0 $0xFFFF  }
0xfb: {  	[hbm:s1], [sflag:s2] =	dma.local @!p0 [spmem:s3], $0x40  }
0xfc: {  	s1 =	simm.s32 @!p0 $0x3  }
0xfd: {  	_ =	swait.ge @!p0 [sflag:s1], $0x40  }
0xfe: {  	[sflag:s1] =	ssyncset.done @!p0 $0x0  }
0xff: {  	[sflag:s1] =	ssyncadd.s32 @!p0 $0xFFFFFFC0  }
0x100: {  	_ =	sfence.sel @!p0 $0x180000  }
0x101: {  	[bflag:$0x0] =	sbarrier.arrive @!p0 $0xFFFF  }
0x102: {  	_ =	strace @!p0 $0x90000047  }
0x103: {  	s0 =	sadd.s32 @!p0 $0x100000, s0;
	[bflag:$0x2] =	sbarrier.arrive @!p0 $0xFFFF  }
0x104: {  	[sflag:s0] =	ssyncadd.tile.s32 @!p0 $0x1;
	_ =	shalt  }
.Lfunc_end2:
_tile_overlayer_lowered:
.L_overlay_start_2:
0x105: {  	(tag) =	ssettag $0x2  }
0x106: {  	s0 =	rddreg [dreg:$0x0];
	s2 =	stileid.u32  }
0x107: {  	s1 =	rddreg [dreg:$0x1];
	p0 =	sne.s32 s2, $0x0  }
0x108: {  	s3 =	rddreg [dreg:$0x2];
	[bflag:$0x3] =	sbarrier.arrive $0xFFFF;
	s2 =	simm.s32 @!p0 $0x1C03  }
0x109: {  	[timem:s3], [sflag:s2] =	dma.local @!p0 [hbm:s0], s1  }
0x10a: {  	s0 =	simm.s32 @!p0 $0x3  }
0x10b: {  	_ =	swait.ge @!p0 [sflag:s0], s1  }
0x10c: {  	s1 =	ssub.s32 @!p0 $0x0, s1;
	[sflag:s0] =	ssyncset.done @!p0 $0x0  }
0x10d: {  	[sflag:s0] =	ssyncadd.s32 @!p0 s1  }
0x10e: {  	[bflag:$0x3] =	sbarrier.arrive $0xFFFF  }
0x10f: {  	_ =	shalt  }

</sc_bundles>
